<compile_context>
chip_gen: v7x
topology: tpu7x:2x2x1
jax: 0.10.2.dev20260603
libtpu: 0.0.44.dev20260713+nightly
codegen_flags: <defaults>
</compile_context>

<pallas_src>
import functools

import jax
import jax.numpy as jnp
from jax import lax
from jax.experimental import pallas as pl
from jax.experimental.pallas import tpu as pltpu
from jax.experimental.pallas import tpu_sc as plsc



def _tc_sims_kernel(cue_ref, patches_ref, sims_ref, inv_ref):
    cue = cue_ref[0]
    p = patches_ref[0]

    cue_n = cue / jnp.maximum(
        jnp.sqrt(jnp.sum(cue * cue, axis=1, keepdims=True)), 1e-12)

    sq = p * p
    s1 = sq[:, :256] + sq[:, 256:]
    s2 = s1[:, :128] + s1[:, 128:]
    ssum = jnp.sum(jnp.transpose(s2), axis=0, keepdims=True)
    inv_row = 1.0 / jnp.maximum(jnp.sqrt(ssum), 1e-12)
    inv_col = jnp.transpose(inv_row)
    pn = p * inv_col

    sims_ref[0] = jax.lax.dot_general(
        cue_n, pn, (((1,), (1,)), ((), ())),
        preferred_element_type=jnp.float32,
    )
    inv_ref[0] = inv_row



def _dyn_gather(v, idx):
    return lax.gather(
        v, idx[:, None],
        dimension_numbers=lax.GatherDimensionNumbers(
            offset_dims=(), collapsed_slice_dims=(0,), start_index_map=(0,)),
        slice_sizes=(1,),
        mode=lax.GatherScatterMode.PROMISE_IN_BOUNDS)

def _sc_body(sims_hbm, inv_hbm, patches_hbm, out_hbm,
             sims_v, inv_v, idx_v, rows_v, acc_v, sem):
    nc = 2
    wid = lax.axis_index("s") * nc + lax.axis_index("c")

    def one_row(rep, carry):
        pair = wid + 32 * rep
        b = lax.div(pair, 5)
        k = lax.rem(pair, 5)
        r = b * 8 + k

        @pl.when(pair < 80)
        def _():
            pltpu.sync_copy(sims_hbm.at[r], sims_v)
            pltpu.sync_copy(inv_hbm.at[b], inv_v)

            lane = lax.iota(jnp.int32, 16)

            def chunk_step(j, c):
                v = sims_v[pl.ds(j * 16, 16)]
                i = lane + j * 16
                new = []
                for lvl in range(9):
                    lv, li = c[lvl]
                    take = v > lv
                    nv = jnp.where(take, v, lv)
                    ni = jnp.where(take, i, li)
                    v = jnp.where(take, lv, v)
                    i = jnp.where(take, li, i)
                    new.append((nv, ni))
                return tuple(new)

            ladder = lax.fori_loop(
                0, 256, chunk_step,
                tuple((jnp.full((16,), -2.0, jnp.float32),
                       jnp.full((16,), 0, jnp.int32)) for _ in range(9)))

            cur_v, cur_i = plsc.sort_key_val(ladder[0][0], ladder[0][1])
            for lvl in range(1, 9):
                dv, di = plsc.sort_key_val(ladder[lvl][0], ladder[lvl][1],
                                           descending=True)
                take = (dv > cur_v) | ((dv == cur_v) & (di < cur_i))
                cur_v, cur_i = plsc.sort_key_val(
                    jnp.where(take, dv, cur_v), jnp.where(take, di, cur_i))

            cnt = jnp.zeros((16,), jnp.int32)
            for j in range(16):
                sel = jnp.full((16,), j, jnp.int32)
                vj = _dyn_gather(cur_v, sel)
                ij = _dyn_gather(cur_i, sel)
                beats = (vj > cur_v) | ((vj == cur_v) & (ij < cur_i))
                cnt = cnt + beats.astype(jnp.int32)
            _, top_i = plsc.sort_key_val(cnt, cur_i)
            inv9 = plsc.load_gather(inv_v, [top_i])
            wvec = inv9 * jnp.float32(1.0 / 9.0)

            idx_v[...] = top_i + b * 4096
            pltpu.async_copy(patches_hbm.at[idx_v], rows_v, sem).wait()

            def acc_chunk(c, carry):
                s = jnp.zeros((16,), jnp.float32)
                for j in range(9):
                    wj = _dyn_gather(wvec, jnp.full((16,), j, jnp.int32))
                    s = s + rows_v[j, pl.ds(c * 16, 16)] * wj
                acc_v[pl.ds(c * 16, 16)] = s
                return carry

            lax.fori_loop(0, 32, acc_chunk, 0)
            pltpu.sync_copy(acc_v, out_hbm.at[r])

        return carry

    lax.fori_loop(0, 3, one_row, 0)



def kernel(cue, patches):
    b, k, d = cue.shape
    n = patches.shape[1]
    cue_p = jnp.pad(cue, ((0, 0), (0, 8 - k), (0, 0)))

    sims, inv = pl.pallas_call(
        _tc_sims_kernel,
        grid=(b,),
        in_specs=[
            pl.BlockSpec((1, 8, d), lambda i: (i, 0, 0)),
            pl.BlockSpec((1, n, d), lambda i: (i, 0, 0)),
        ],
        out_specs=[
            pl.BlockSpec((1, 8, n), lambda i: (i, 0, 0)),
            pl.BlockSpec((1, 1, n), lambda i: (i, 0, 0)),
        ],
        out_shape=[
            jax.ShapeDtypeStruct((b, 8, n), jnp.float32),
            jax.ShapeDtypeStruct((b, 1, n), jnp.float32),
        ],
    )(cue_p, patches)

    sims_flat = sims.reshape(b * 8, n)
    inv_flat = inv.reshape(b, n)
    patches_flat = patches.reshape(b * n, d)

    mesh = plsc.VectorSubcoreMesh(core_axis_name="c", subcore_axis_name="s")
    sc = functools.partial(
        pl.kernel,
        mesh=mesh,
        out_type=jax.ShapeDtypeStruct((b * 8, d), jnp.float32),
        scratch_types=[
            pltpu.VMEM((n,), jnp.float32),
            pltpu.VMEM((n,), jnp.float32),
            pltpu.VMEM((16,), jnp.int32),
            pltpu.VMEM((16, d), jnp.float32),
            pltpu.VMEM((d,), jnp.float32),
            pltpu.SemaphoreType.DMA,
        ],
        compiler_params=pltpu.CompilerParams(needs_layout_passes=False),
    )(_sc_body)

    out = sc(sims_flat, inv_flat, patches_flat)
    return out.reshape(b, 8, d)[:, :k, :]

# --- scband reference (transcript-rebuilt; emitter-appended) ---
"""Pipeline reference for scband-buddy-pool-42537356100368 (READ-ONLY COPY).

The authoritative reference and input builder live on the scoring server;
editing this copy changes nothing except your own understanding.
"""

import jax, jax.numpy as jnp
import numpy as np


def _normalize(x, eps=1e-12):
    # matches torch.nn.functional.normalize(dim=-1)
    n = jnp.linalg.norm(x, axis=-1, keepdims=True)
    return x / jnp.maximum(n, eps)


def setup_inputs(seed: int = 0) -> dict:
    key = jax.random.key(seed)
    k1, k2 = jax.random.split(key)
    cue = jax.random.normal(k1, (16, 5, 512), dtype=jnp.float32)
    patches = jax.random.normal(k2, (16, 4096, 512), dtype=jnp.float32)
    return {"cue": cue, "patches": patches}


def reference(cue, patches):
    b, k, d = cue.shape
    # flat (B, N, D) path of BuddyPool
    cue_n = _normalize(cue)
    flat = _normalize(patches)
    sims = jnp.einsum('bkd,bnd->bkn', cue_n, flat)  # (b, k, n)
    _ = jnp.argmax(sims, axis=-1)  # computed in torch code; unused on flat path
    _, top_indices = jax.lax.top_k(sims, 9)  # (b, k, 9)
    batch_idx = jnp.arange(b)[:, None, None]
    roi = flat[batch_idx, top_indices]  # gather -> (b, k, 9, d)
    roi = roi.mean(axis=2)  # (b, k, d)
    return roi

if __name__ == "__main__":
    import jax
    _d = setup_inputs()
    print(jax.jit(kernel)(*tuple(_d.values())))

</pallas_src>

<mosaic_0001>
#map = affine_map<(d0, d1) -> (0, 0)>
module attributes {stable_mosaic.version = 14 : i64} {
  func.func @_sc_body(%arg0: i32, %arg1: i32, %arg2: memref<128x4096xf32, #tpu.memory_space<hbm>>, %arg3: memref<16x4096xf32, #tpu.memory_space<hbm>>, %arg4: memref<65536x512xf32, #tpu.memory_space<hbm>>, %arg5: memref<128x512xf32, #tpu.memory_space<hbm>>, %arg6: memref<4096xf32, #tpu.memory_space<vmem>>, %arg7: memref<4096xf32, #tpu.memory_space<vmem>>, %arg8: memref<16xi32, #tpu.memory_space<vmem>>, %arg9: memref<16x512xf32, #tpu.memory_space<vmem>>, %arg10: memref<512xf32, #tpu.memory_space<vmem>>, %arg11: memref<!tpu.dma_semaphore, #tpu.memory_space<semaphore_mem>>) attributes {dimension_semantics = [#tpu.dimension_semantics<core_parallel>, #tpu.dimension_semantics<subcore_parallel>], iteration_bounds = array<i64: 2, 16>, scalar_prefetch = 0 : i64, scratch_operands = 6 : i64, tpu.core_type = #tpu.core_type<sc_vector_subcore>, window_params = [{transform_indices = #map}, {transform_indices = #map}, {transform_indices = #map}, {transform_indices = #map}]} {
    %mul3A = arith.constant 2 : i32
    %mul3A_0 = arith.muli %arg1, %mul3A : i32
    %add3A = arith.addi %mul3A_0, %arg0 : i32
    %scan3A = arith.constant 0 : i32
    %scan3A_1 = arith.constant 0 : i32
    %scan3A_2 = arith.constant 3 : i32
    %scan3A_3 = arith.addi %scan3A_1, %scan3A_2 : i32
    %scan3A_4 = arith.constant 1 : i32
    scf.for %scan3A_6 = %scan3A_1 to %scan3A_3 step %scan3A_4  : i32 {
      %mul3A_7 = arith.constant 32 : i32
      %mul3A_8 = arith.muli %mul3A_7, %scan3A_6 : i32
      %add3A_9 = arith.addi %add3A, %mul3A_8 : i32
      %div3A = arith.constant 5 : i32
      %div3A_10 = arith.divsi %add3A_9, %div3A : i32
      %rem3A = arith.constant 5 : i32
      %rem3A_11 = arith.remsi %add3A_9, %rem3A : i32
      %mul3A_12 = arith.constant 8 : i32
      %mul3A_13 = arith.muli %div3A_10, %mul3A_12 : i32
      %add3A_14 = arith.addi %mul3A_13, %rem3A_11 : i32
      %lt3A = arith.constant 80 : i32
      %lt3A_15 = arith.cmpi slt, %add3A_9, %lt3A : i32
      %convert_element_type3A = arith.extui %lt3A_15 : i1 to i32
      %cond3A = arith.constant 0 : i32
      %cond3A_16 = arith.cmpi ne, %convert_element_type3A, %cond3A : i32
      scf.if %cond3A_16 {
        "tpu.region"() ({
          %run_scoped3A = tpu.sem_alloc : memref<!tpu.dma_semaphore, #tpu.memory_space<semaphore_mem>>
          %dma_start3A_444 = arith.constant 0 : i32
          %dma_start3A_445 = tpu.memref_slice %arg2[%add3A_14, %dma_start3A_444] : memref<128x4096xf32, #tpu.memory_space<hbm>> -> memref<1x4096xf32, #tpu.memory_space<hbm>>
          %dma_start3A_446 = tpu.memref_squeeze %dma_start3A_445 : memref<1x4096xf32, #tpu.memory_space<hbm>> -> memref<4096xf32, #tpu.memory_space<hbm>>
          %dma_start3A_447 = arith.constant 0 : i32
          %dma_start3A_448 = tpu.memref_slice %arg2[%add3A_14, %dma_start3A_447] : memref<128x4096xf32, #tpu.memory_space<hbm>> -> memref<1x4096xf32, #tpu.memory_space<hbm>>
          %dma_start3A_449 = tpu.memref_squeeze %dma_start3A_448 : memref<1x4096xf32, #tpu.memory_space<hbm>> -> memref<4096xf32, #tpu.memory_space<hbm>>
          tpu.enqueue_dma source(%dma_start3A_449 : memref<4096xf32, #tpu.memory_space<hbm>>) target(%arg6 : memref<4096xf32, #tpu.memory_space<vmem>>) target_semaphore(%run_scoped3A : memref<!tpu.dma_semaphore, #tpu.memory_space<semaphore_mem>>)
          %dma_wait3A_450 = arith.constant 0 : i32
          %dma_wait3A_451 = tpu.memref_slice %arg2[%add3A_14, %dma_wait3A_450] : memref<128x4096xf32, #tpu.memory_space<hbm>> -> memref<1x4096xf32, #tpu.memory_space<hbm>>
          %dma_wait3A_452 = tpu.memref_squeeze %dma_wait3A_451 : memref<1x4096xf32, #tpu.memory_space<hbm>> -> memref<4096xf32, #tpu.memory_space<hbm>>
          %dma_wait3A_453 = arith.constant 0 : i32
          %dma_wait3A_454 = tpu.memref_slice %arg2[%add3A_14, %dma_wait3A_453] : memref<128x4096xf32, #tpu.memory_space<hbm>> -> memref<1x4096xf32, #tpu.memory_space<hbm>>
          %dma_wait3A_455 = tpu.memref_squeeze %dma_wait3A_454 : memref<1x4096xf32, #tpu.memory_space<hbm>> -> memref<4096xf32, #tpu.memory_space<hbm>>
          tpu.wait_dma2 semaphore(%run_scoped3A : memref<!tpu.dma_semaphore, #tpu.memory_space<semaphore_mem>>) src(%dma_wait3A_455 : memref<4096xf32, #tpu.memory_space<hbm>>) dst(%arg6 : memref<4096xf32, #tpu.memory_space<vmem>>)
          tpu.yield
        }) : () -> ()
        "tpu.region"() ({
          %run_scoped3A = tpu.sem_alloc : memref<!tpu.dma_semaphore, #tpu.memory_space<semaphore_mem>>
          %dma_start3A_444 = arith.constant 0 : i32
          %dma_start3A_445 = tpu.memref_slice %arg3[%div3A_10, %dma_start3A_444] : memref<16x4096xf32, #tpu.memory_space<hbm>> -> memref<1x4096xf32, #tpu.memory_space<hbm>>
          %dma_start3A_446 = tpu.memref_squeeze %dma_start3A_445 : memref<1x4096xf32, #tpu.memory_space<hbm>> -> memref<4096xf32, #tpu.memory_space<hbm>>
          %dma_start3A_447 = arith.constant 0 : i32
          %dma_start3A_448 = tpu.memref_slice %arg3[%div3A_10, %dma_start3A_447] : memref<16x4096xf32, #tpu.memory_space<hbm>> -> memref<1x4096xf32, #tpu.memory_space<hbm>>
          %dma_start3A_449 = tpu.memref_squeeze %dma_start3A_448 : memref<1x4096xf32, #tpu.memory_space<hbm>> -> memref<4096xf32, #tpu.memory_space<hbm>>
          tpu.enqueue_dma source(%dma_start3A_449 : memref<4096xf32, #tpu.memory_space<hbm>>) target(%arg7 : memref<4096xf32, #tpu.memory_space<vmem>>) target_semaphore(%run_scoped3A : memref<!tpu.dma_semaphore, #tpu.memory_space<semaphore_mem>>)
          %dma_wait3A_450 = arith.constant 0 : i32
          %dma_wait3A_451 = tpu.memref_slice %arg3[%div3A_10, %dma_wait3A_450] : memref<16x4096xf32, #tpu.memory_space<hbm>> -> memref<1x4096xf32, #tpu.memory_space<hbm>>
          %dma_wait3A_452 = tpu.memref_squeeze %dma_wait3A_451 : memref<1x4096xf32, #tpu.memory_space<hbm>> -> memref<4096xf32, #tpu.memory_space<hbm>>
          %dma_wait3A_453 = arith.constant 0 : i32
          %dma_wait3A_454 = tpu.memref_slice %arg3[%div3A_10, %dma_wait3A_453] : memref<16x4096xf32, #tpu.memory_space<hbm>> -> memref<1x4096xf32, #tpu.memory_space<hbm>>
          %dma_wait3A_455 = tpu.memref_squeeze %dma_wait3A_454 : memref<1x4096xf32, #tpu.memory_space<hbm>> -> memref<4096xf32, #tpu.memory_space<hbm>>
          tpu.wait_dma2 semaphore(%run_scoped3A : memref<!tpu.dma_semaphore, #tpu.memory_space<semaphore_mem>>) src(%dma_wait3A_455 : memref<4096xf32, #tpu.memory_space<hbm>>) dst(%arg7 : memref<4096xf32, #tpu.memory_space<vmem>>)
          tpu.yield
        }) : () -> ()
        %iota3A = tpu.iota {dimensions = array<i32: 0>} : vector<16xi32>
        %broadcast_in_dim3A = arith.constant -2.000000e+00 : f32
        %broadcast_in_dim3A_17 = vector.broadcast %broadcast_in_dim3A : f32 to vector<16xf32>
        %broadcast_in_dim3A_18 = arith.constant 0 : i32
        %broadcast_in_dim3A_19 = vector.broadcast %broadcast_in_dim3A_18 : i32 to vector<16xi32>
        %broadcast_in_dim3A_20 = arith.constant -2.000000e+00 : f32
        %broadcast_in_dim3A_21 = vector.broadcast %broadcast_in_dim3A_20 : f32 to vector<16xf32>
        %broadcast_in_dim3A_22 = arith.constant 0 : i32
        %broadcast_in_dim3A_23 = vector.broadcast %broadcast_in_dim3A_22 : i32 to vector<16xi32>
        %broadcast_in_dim3A_24 = arith.constant -2.000000e+00 : f32
        %broadcast_in_dim3A_25 = vector.broadcast %broadcast_in_dim3A_24 : f32 to vector<16xf32>
        %broadcast_in_dim3A_26 = arith.constant 0 : i32
        %broadcast_in_dim3A_27 = vector.broadcast %broadcast_in_dim3A_26 : i32 to vector<16xi32>
        %broadcast_in_dim3A_28 = arith.constant -2.000000e+00 : f32
        %broadcast_in_dim3A_29 = vector.broadcast %broadcast_in_dim3A_28 : f32 to vector<16xf32>
        %broadcast_in_dim3A_30 = arith.constant 0 : i32
        %broadcast_in_dim3A_31 = vector.broadcast %broadcast_in_dim3A_30 : i32 to vector<16xi32>
        %broadcast_in_dim3A_32 = arith.constant -2.000000e+00 : f32
        %broadcast_in_dim3A_33 = vector.broadcast %broadcast_in_dim3A_32 : f32 to vector<16xf32>
        %broadcast_in_dim3A_34 = arith.constant 0 : i32
        %broadcast_in_dim3A_35 = vector.broadcast %broadcast_in_dim3A_34 : i32 to vector<16xi32>
        %broadcast_in_dim3A_36 = arith.constant -2.000000e+00 : f32
        %broadcast_in_dim3A_37 = vector.broadcast %broadcast_in_dim3A_36 : f32 to vector<16xf32>
        %broadcast_in_dim3A_38 = arith.constant 0 : i32
        %broadcast_in_dim3A_39 = vector.broadcast %broadcast_in_dim3A_38 : i32 to vector<16xi32>
        %broadcast_in_dim3A_40 = arith.constant -2.000000e+00 : f32
        %broadcast_in_dim3A_41 = vector.broadcast %broadcast_in_dim3A_40 : f32 to vector<16xf32>
        %broadcast_in_dim3A_42 = arith.constant 0 : i32
        %broadcast_in_dim3A_43 = vector.broadcast %broadcast_in_dim3A_42 : i32 to vector<16xi32>
        %broadcast_in_dim3A_44 = arith.constant -2.000000e+00 : f32
        %broadcast_in_dim3A_45 = vector.broadcast %broadcast_in_dim3A_44 : f32 to vector<16xf32>
        %broadcast_in_dim3A_46 = arith.constant 0 : i32
        %broadcast_in_dim3A_47 = vector.broadcast %broadcast_in_dim3A_46 : i32 to vector<16xi32>
        %broadcast_in_dim3A_48 = arith.constant -2.000000e+00 : f32
        %broadcast_in_dim3A_49 = vector.broadcast %broadcast_in_dim3A_48 : f32 to vector<16xf32>
        %broadcast_in_dim3A_50 = arith.constant 0 : i32
        %broadcast_in_dim3A_51 = vector.broadcast %broadcast_in_dim3A_50 : i32 to vector<16xi32>
        %scan3A_52 = arith.constant 0 : i32
        %scan3A_53 = arith.constant 256 : i32
        %scan3A_54 = arith.addi %scan3A_52, %scan3A_53 : i32
        %scan3A_55 = arith.constant 1 : i32
        %scan3A_56:18 = scf.for %scan3A_444 = %scan3A_52 to %scan3A_54 step %scan3A_55 iter_args(%scan3A_445 = %broadcast_in_dim3A_17, %scan3A_446 = %broadcast_in_dim3A_19, %scan3A_447 = %broadcast_in_dim3A_21, %scan3A_448 = %broadcast_in_dim3A_23, %scan3A_449 = %broadcast_in_dim3A_25, %scan3A_450 = %broadcast_in_dim3A_27, %scan3A_451 = %broadcast_in_dim3A_29, %scan3A_452 = %broadcast_in_dim3A_31, %scan3A_453 = %broadcast_in_dim3A_33, %scan3A_454 = %broadcast_in_dim3A_35, %scan3A_455 = %broadcast_in_dim3A_37, %scan3A_456 = %broadcast_in_dim3A_39, %scan3A_457 = %broadcast_in_dim3A_41, %scan3A_458 = %broadcast_in_dim3A_43, %scan3A_459 = %broadcast_in_dim3A_45, %scan3A_460 = %broadcast_in_dim3A_47, %scan3A_461 = %broadcast_in_dim3A_49, %scan3A_462 = %broadcast_in_dim3A_51) -> (vector<16xf32>, vector<16xi32>, vector<16xf32>, vector<16xi32>, vector<16xf32>, vector<16xi32>, vector<16xf32>, vector<16xi32>, vector<16xf32>, vector<16xi32>, vector<16xf32>, vector<16xi32>, vector<16xf32>, vector<16xi32>, vector<16xf32>, vector<16xi32>, vector<16xf32>, vector<16xi32>)  : i32 {
          %mul3A_463 = arith.constant 16 : i32
          %mul3A_464 = arith.muli %scan3A_444, %mul3A_463 : i32
          %get3A = arith.index_cast %mul3A_464 : i32 to index
          %get3A_465 = tpu.vector_load %arg6[%get3A] {strides = array<i32>} : memref<4096xf32, #tpu.memory_space<vmem>>, vector<16xf32>,
          %mul3A_466 = arith.constant 16 : i32
          %mul3A_467 = arith.muli %scan3A_444, %mul3A_466 : i32
          %add3A_468 = vector.broadcast %mul3A_467 : i32 to vector<16xi32>
          %add3A_469 = arith.addi %iota3A, %add3A_468 : vector<16xi32>
          %gt3A_470 = arith.cmpf ogt, %get3A_465, %scan3A_445 : vector<16xf32>
          %select_n3A_471 = arith.select %gt3A_470, %get3A_465, %scan3A_445 : vector<16xi1>, vector<16xf32>
          %select_n3A_472 = arith.select %gt3A_470, %add3A_469, %scan3A_446 : vector<16xi1>, vector<16xi32>
          %select_n3A_473 = arith.select %gt3A_470, %scan3A_445, %get3A_465 : vector<16xi1>, vector<16xf32>
          %select_n3A_474 = arith.select %gt3A_470, %scan3A_446, %add3A_469 : vector<16xi1>, vector<16xi32>
          %gt3A_475 = arith.cmpf ogt, %select_n3A_473, %scan3A_447 : vector<16xf32>
          %select_n3A_476 = arith.select %gt3A_475, %select_n3A_473, %scan3A_447 : vector<16xi1>, vector<16xf32>
          %select_n3A_477 = arith.select %gt3A_475, %select_n3A_474, %scan3A_448 : vector<16xi1>, vector<16xi32>
          %select_n3A_478 = arith.select %gt3A_475, %scan3A_447, %select_n3A_473 : vector<16xi1>, vector<16xf32>
          %select_n3A_479 = arith.select %gt3A_475, %scan3A_448, %select_n3A_474 : vector<16xi1>, vector<16xi32>
          %gt3A_480 = arith.cmpf ogt, %select_n3A_478, %scan3A_449 : vector<16xf32>
          %select_n3A_481 = arith.select %gt3A_480, %select_n3A_478, %scan3A_449 : vector<16xi1>, vector<16xf32>
          %select_n3A_482 = arith.select %gt3A_480, %select_n3A_479, %scan3A_450 : vector<16xi1>, vector<16xi32>
          %select_n3A_483 = arith.select %gt3A_480, %scan3A_449, %select_n3A_478 : vector<16xi1>, vector<16xf32>
          %select_n3A_484 = arith.select %gt3A_480, %scan3A_450, %select_n3A_479 : vector<16xi1>, vector<16xi32>
          %gt3A_485 = arith.cmpf ogt, %select_n3A_483, %scan3A_451 : vector<16xf32>
          %select_n3A_486 = arith.select %gt3A_485, %select_n3A_483, %scan3A_451 : vector<16xi1>, vector<16xf32>
          %select_n3A_487 = arith.select %gt3A_485, %select_n3A_484, %scan3A_452 : vector<16xi1>, vector<16xi32>
          %select_n3A_488 = arith.select %gt3A_485, %scan3A_451, %select_n3A_483 : vector<16xi1>, vector<16xf32>
          %select_n3A_489 = arith.select %gt3A_485, %scan3A_452, %select_n3A_484 : vector<16xi1>, vector<16xi32>
          %gt3A_490 = arith.cmpf ogt, %select_n3A_488, %scan3A_453 : vector<16xf32>
          %select_n3A_491 = arith.select %gt3A_490, %select_n3A_488, %scan3A_453 : vector<16xi1>, vector<16xf32>
          %select_n3A_492 = arith.select %gt3A_490, %select_n3A_489, %scan3A_454 : vector<16xi1>, vector<16xi32>
          %select_n3A_493 = arith.select %gt3A_490, %scan3A_453, %select_n3A_488 : vector<16xi1>, vector<16xf32>
          %select_n3A_494 = arith.select %gt3A_490, %scan3A_454, %select_n3A_489 : vector<16xi1>, vector<16xi32>
          %gt3A_495 = arith.cmpf ogt, %select_n3A_493, %scan3A_455 : vector<16xf32>
          %select_n3A_496 = arith.select %gt3A_495, %select_n3A_493, %scan3A_455 : vector<16xi1>, vector<16xf32>
          %select_n3A_497 = arith.select %gt3A_495, %select_n3A_494, %scan3A_456 : vector<16xi1>, vector<16xi32>
          %select_n3A_498 = arith.select %gt3A_495, %scan3A_455, %select_n3A_493 : vector<16xi1>, vector<16xf32>
          %select_n3A_499 = arith.select %gt3A_495, %scan3A_456, %select_n3A_494 : vector<16xi1>, vector<16xi32>
          %gt3A_500 = arith.cmpf ogt, %select_n3A_498, %scan3A_457 : vector<16xf32>
          %select_n3A_501 = arith.select %gt3A_500, %select_n3A_498, %scan3A_457 : vector<16xi1>, vector<16xf32>
          %select_n3A_502 = arith.select %gt3A_500, %select_n3A_499, %scan3A_458 : vector<16xi1>, vector<16xi32>
          %select_n3A_503 = arith.select %gt3A_500, %scan3A_457, %select_n3A_498 : vector<16xi1>, vector<16xf32>
          %select_n3A_504 = arith.select %gt3A_500, %scan3A_458, %select_n3A_499 : vector<16xi1>, vector<16xi32>
          %gt3A_505 = arith.cmpf ogt, %select_n3A_503, %scan3A_459 : vector<16xf32>
          %select_n3A_506 = arith.select %gt3A_505, %select_n3A_503, %scan3A_459 : vector<16xi1>, vector<16xf32>
          %select_n3A_507 = arith.select %gt3A_505, %select_n3A_504, %scan3A_460 : vector<16xi1>, vector<16xi32>
          %select_n3A_508 = arith.select %gt3A_505, %scan3A_459, %select_n3A_503 : vector<16xi1>, vector<16xf32>
          %select_n3A_509 = arith.select %gt3A_505, %scan3A_460, %select_n3A_504 : vector<16xi1>, vector<16xi32>
          %gt3A_510 = arith.cmpf ogt, %select_n3A_508, %scan3A_461 : vector<16xf32>
          %select_n3A_511 = arith.select %gt3A_510, %select_n3A_508, %scan3A_461 : vector<16xi1>, vector<16xf32>
          %select_n3A_512 = arith.select %gt3A_510, %select_n3A_509, %scan3A_462 : vector<16xi1>, vector<16xi32>
          %select_n3A_513 = arith.select %gt3A_510, %scan3A_461, %select_n3A_508 : vector<16xi1>, vector<16xf32>
          %select_n3A_514 = arith.select %gt3A_510, %scan3A_462, %select_n3A_509 : vector<16xi1>, vector<16xi32>
          scf.yield %select_n3A_471, %select_n3A_472, %select_n3A_476, %select_n3A_477, %select_n3A_481, %select_n3A_482, %select_n3A_486, %select_n3A_487, %select_n3A_491, %select_n3A_492, %select_n3A_496, %select_n3A_497, %select_n3A_501, %select_n3A_502, %select_n3A_506, %select_n3A_507, %select_n3A_511, %select_n3A_512 : vector<16xf32>, vector<16xi32>, vector<16xf32>, vector<16xi32>, vector<16xf32>, vector<16xi32>, vector<16xf32>, vector<16xi32>, vector<16xf32>, vector<16xi32>, vector<16xf32>, vector<16xi32>, vector<16xf32>, vector<16xi32>, vector<16xf32>, vector<16xi32>, vector<16xf32>, vector<16xi32>
        }
        %scan3A_57 = arith.constant 256 : i32
        %masked_sort3A = arith.constant dense<true> : vector<16xi1>
        %masked_sort3A_58, %masked_sort3A_59, %masked_sort3A_60 = tpu.sort %scan3A_56#0, %scan3A_56#1 masked %masked_sort3A : (vector<16xf32>, vector<16xi32>, vector<16xi1>) -> (vector<16xi1>, vector<16xf32>, vector<16xi32>)
        %masked_sort3A_61 = arith.constant dense<true> : vector<16xi1>
        %masked_sort3A_62, %masked_sort3A_63, %masked_sort3A_64 = tpu.sort %scan3A_56#2, %scan3A_56#3 masked %masked_sort3A_61 {descending = true} : (vector<16xf32>, vector<16xi32>, vector<16xi1>) -> (vector<16xi1>, vector<16xf32>, vector<16xi32>)
        %gt3A = arith.cmpf ogt, %masked_sort3A_63, %masked_sort3A_59 : vector<16xf32>
        %eq3A = arith.cmpf oeq, %masked_sort3A_63, %masked_sort3A_59 : vector<16xf32>
        %lt3A_65 = arith.cmpi slt, %masked_sort3A_64, %masked_sort3A_60 : vector<16xi32>
        %and3A = arith.andi %eq3A, %lt3A_65 : vector<16xi1>
        %or3A = arith.ori %gt3A, %and3A : vector<16xi1>
        %select_n3A = arith.select %or3A, %masked_sort3A_63, %masked_sort3A_59 : vector<16xi1>, vector<16xf32>
        %select_n3A_66 = arith.select %or3A, %masked_sort3A_64, %masked_sort3A_60 : vector<16xi1>, vector<16xi32>
        %masked_sort3A_67 = arith.constant dense<true> : vector<16xi1>
        %masked_sort3A_68, %masked_sort3A_69, %masked_sort3A_70 = tpu.sort %select_n3A, %select_n3A_66 masked %masked_sort3A_67 : (vector<16xf32>, vector<16xi32>, vector<16xi1>) -> (vector<16xi1>, vector<16xf32>, vector<16xi32>)
        %masked_sort3A_71 = arith.constant dense<true> : vector<16xi1>
        %masked_sort3A_72, %masked_sort3A_73, %masked_sort3A_74 = tpu.sort %scan3A_56#4, %scan3A_56#5 masked %masked_sort3A_71 {descending = true} : (vector<16xf32>, vector<16xi32>, vector<16xi1>) -> (vector<16xi1>, vector<16xf32>, vector<16xi32>)
        %gt3A_75 = arith.cmpf ogt, %masked_sort3A_73, %masked_sort3A_69 : vector<16xf32>
        %eq3A_76 = arith.cmpf oeq, %masked_sort3A_73, %masked_sort3A_69 : vector<16xf32>
        %lt3A_77 = arith.cmpi slt, %masked_sort3A_74, %masked_sort3A_70 : vector<16xi32>
        %and3A_78 = arith.andi %eq3A_76, %lt3A_77 : vector<16xi1>
        %or3A_79 = arith.ori %gt3A_75, %and3A_78 : vector<16xi1>
        %select_n3A_80 = arith.select %or3A_79, %masked_sort3A_73, %masked_sort3A_69 : vector<16xi1>, vector<16xf32>
        %select_n3A_81 = arith.select %or3A_79, %masked_sort3A_74, %masked_sort3A_70 : vector<16xi1>, vector<16xi32>
        %masked_sort3A_82 = arith.constant dense<true> : vector<16xi1>
        %masked_sort3A_83, %masked_sort3A_84, %masked_sort3A_85 = tpu.sort %select_n3A_80, %select_n3A_81 masked %masked_sort3A_82 : (vector<16xf32>, vector<16xi32>, vector<16xi1>) -> (vector<16xi1>, vector<16xf32>, vector<16xi32>)
        %masked_sort3A_86 = arith.constant dense<true> : vector<16xi1>
        %masked_sort3A_87, %masked_sort3A_88, %masked_sort3A_89 = tpu.sort %scan3A_56#6, %scan3A_56#7 masked %masked_sort3A_86 {descending = true} : (vector<16xf32>, vector<16xi32>, vector<16xi1>) -> (vector<16xi1>, vector<16xf32>, vector<16xi32>)
        %gt3A_90 = arith.cmpf ogt, %masked_sort3A_88, %masked_sort3A_84 : vector<16xf32>
        %eq3A_91 = arith.cmpf oeq, %masked_sort3A_88, %masked_sort3A_84 : vector<16xf32>
        %lt3A_92 = arith.cmpi slt, %masked_sort3A_89, %masked_sort3A_85 : vector<16xi32>
        %and3A_93 = arith.andi %eq3A_91, %lt3A_92 : vector<16xi1>
        %or3A_94 = arith.ori %gt3A_90, %and3A_93 : vector<16xi1>
        %select_n3A_95 = arith.select %or3A_94, %masked_sort3A_88, %masked_sort3A_84 : vector<16xi1>, vector<16xf32>
        %select_n3A_96 = arith.select %or3A_94, %masked_sort3A_89, %masked_sort3A_85 : vector<16xi1>, vector<16xi32>
        %masked_sort3A_97 = arith.constant dense<true> : vector<16xi1>
        %masked_sort3A_98, %masked_sort3A_99, %masked_sort3A_100 = tpu.sort %select_n3A_95, %select_n3A_96 masked %masked_sort3A_97 : (vector<16xf32>, vector<16xi32>, vector<16xi1>) -> (vector<16xi1>, vector<16xf32>, vector<16xi32>)
        %masked_sort3A_101 = arith.constant dense<true> : vector<16xi1>
        %masked_sort3A_102, %masked_sort3A_103, %masked_sort3A_104 = tpu.sort %scan3A_56#8, %scan3A_56#9 masked %masked_sort3A_101 {descending = true} : (vector<16xf32>, vector<16xi32>, vector<16xi1>) -> (vector<16xi1>, vector<16xf32>, vector<16xi32>)
        %gt3A_105 = arith.cmpf ogt, %masked_sort3A_103, %masked_sort3A_99 : vector<16xf32>
        %eq3A_106 = arith.cmpf oeq, %masked_sort3A_103, %masked_sort3A_99 : vector<16xf32>
        %lt3A_107 = arith.cmpi slt, %masked_sort3A_104, %masked_sort3A_100 : vector<16xi32>
        %and3A_108 = arith.andi %eq3A_106, %lt3A_107 : vector<16xi1>
        %or3A_109 = arith.ori %gt3A_105, %and3A_108 : vector<16xi1>
        %select_n3A_110 = arith.select %or3A_109, %masked_sort3A_103, %masked_sort3A_99 : vector<16xi1>, vector<16xf32>
        %select_n3A_111 = arith.select %or3A_109, %masked_sort3A_104, %masked_sort3A_100 : vector<16xi1>, vector<16xi32>
        %masked_sort3A_112 = arith.constant dense<true> : vector<16xi1>
        %masked_sort3A_113, %masked_sort3A_114, %masked_sort3A_115 = tpu.sort %select_n3A_110, %select_n3A_111 masked %masked_sort3A_112 : (vector<16xf32>, vector<16xi32>, vector<16xi1>) -> (vector<16xi1>, vector<16xf32>, vector<16xi32>)
        %masked_sort3A_116 = arith.constant dense<true> : vector<16xi1>
        %masked_sort3A_117, %masked_sort3A_118, %masked_sort3A_119 = tpu.sort %scan3A_56#10, %scan3A_56#11 masked %masked_sort3A_116 {descending = true} : (vector<16xf32>, vector<16xi32>, vector<16xi1>) -> (vector<16xi1>, vector<16xf32>, vector<16xi32>)
        %gt3A_120 = arith.cmpf ogt, %masked_sort3A_118, %masked_sort3A_114 : vector<16xf32>
        %eq3A_121 = arith.cmpf oeq, %masked_sort3A_118, %masked_sort3A_114 : vector<16xf32>
        %lt3A_122 = arith.cmpi slt, %masked_sort3A_119, %masked_sort3A_115 : vector<16xi32>
        %and3A_123 = arith.andi %eq3A_121, %lt3A_122 : vector<16xi1>
        %or3A_124 = arith.ori %gt3A_120, %and3A_123 : vector<16xi1>
        %select_n3A_125 = arith.select %or3A_124, %masked_sort3A_118, %masked_sort3A_114 : vector<16xi1>, vector<16xf32>
        %select_n3A_126 = arith.select %or3A_124, %masked_sort3A_119, %masked_sort3A_115 : vector<16xi1>, vector<16xi32>
        %masked_sort3A_127 = arith.constant dense<true> : vector<16xi1>
        %masked_sort3A_128, %masked_sort3A_129, %masked_sort3A_130 = tpu.sort %select_n3A_125, %select_n3A_126 masked %masked_sort3A_127 : (vector<16xf32>, vector<16xi32>, vector<16xi1>) -> (vector<16xi1>, vector<16xf32>, vector<16xi32>)
        %masked_sort3A_131 = arith.constant dense<true> : vector<16xi1>
        %masked_sort3A_132, %masked_sort3A_133, %masked_sort3A_134 = tpu.sort %scan3A_56#12, %scan3A_56#13 masked %masked_sort3A_131 {descending = true} : (vector<16xf32>, vector<16xi32>, vector<16xi1>) -> (vector<16xi1>, vector<16xf32>, vector<16xi32>)
        %gt3A_135 = arith.cmpf ogt, %masked_sort3A_133, %masked_sort3A_129 : vector<16xf32>
        %eq3A_136 = arith.cmpf oeq, %masked_sort3A_133, %masked_sort3A_129 : vector<16xf32>
        %lt3A_137 = arith.cmpi slt, %masked_sort3A_134, %masked_sort3A_130 : vector<16xi32>
        %and3A_138 = arith.andi %eq3A_136, %lt3A_137 : vector<16xi1>
        %or3A_139 = arith.ori %gt3A_135, %and3A_138 : vector<16xi1>
        %select_n3A_140 = arith.select %or3A_139, %masked_sort3A_133, %masked_sort3A_129 : vector<16xi1>, vector<16xf32>
        %select_n3A_141 = arith.select %or3A_139, %masked_sort3A_134, %masked_sort3A_130 : vector<16xi1>, vector<16xi32>
        %masked_sort3A_142 = arith.constant dense<true> : vector<16xi1>
        %masked_sort3A_143, %masked_sort3A_144, %masked_sort3A_145 = tpu.sort %select_n3A_140, %select_n3A_141 masked %masked_sort3A_142 : (vector<16xf32>, vector<16xi32>, vector<16xi1>) -> (vector<16xi1>, vector<16xf32>, vector<16xi32>)
        %masked_sort3A_146 = arith.constant dense<true> : vector<16xi1>
        %masked_sort3A_147, %masked_sort3A_148, %masked_sort3A_149 = tpu.sort %scan3A_56#14, %scan3A_56#15 masked %masked_sort3A_146 {descending = true} : (vector<16xf32>, vector<16xi32>, vector<16xi1>) -> (vector<16xi1>, vector<16xf32>, vector<16xi32>)
        %gt3A_150 = arith.cmpf ogt, %masked_sort3A_148, %masked_sort3A_144 : vector<16xf32>
        %eq3A_151 = arith.cmpf oeq, %masked_sort3A_148, %masked_sort3A_144 : vector<16xf32>
        %lt3A_152 = arith.cmpi slt, %masked_sort3A_149, %masked_sort3A_145 : vector<16xi32>
        %and3A_153 = arith.andi %eq3A_151, %lt3A_152 : vector<16xi1>
        %or3A_154 = arith.ori %gt3A_150, %and3A_153 : vector<16xi1>
        %select_n3A_155 = arith.select %or3A_154, %masked_sort3A_148, %masked_sort3A_144 : vector<16xi1>, vector<16xf32>
        %select_n3A_156 = arith.select %or3A_154, %masked_sort3A_149, %masked_sort3A_145 : vector<16xi1>, vector<16xi32>
        %masked_sort3A_157 = arith.constant dense<true> : vector<16xi1>
        %masked_sort3A_158, %masked_sort3A_159, %masked_sort3A_160 = tpu.sort %select_n3A_155, %select_n3A_156 masked %masked_sort3A_157 : (vector<16xf32>, vector<16xi32>, vector<16xi1>) -> (vector<16xi1>, vector<16xf32>, vector<16xi32>)
        %masked_sort3A_161 = arith.constant dense<true> : vector<16xi1>
        %masked_sort3A_162, %masked_sort3A_163, %masked_sort3A_164 = tpu.sort %scan3A_56#16, %scan3A_56#17 masked %masked_sort3A_161 {descending = true} : (vector<16xf32>, vector<16xi32>, vector<16xi1>) -> (vector<16xi1>, vector<16xf32>, vector<16xi32>)
        %gt3A_165 = arith.cmpf ogt, %masked_sort3A_163, %masked_sort3A_159 : vector<16xf32>
        %eq3A_166 = arith.cmpf oeq, %masked_sort3A_163, %masked_sort3A_159 : vector<16xf32>
        %lt3A_167 = arith.cmpi slt, %masked_sort3A_164, %masked_sort3A_160 : vector<16xi32>
        %and3A_168 = arith.andi %eq3A_166, %lt3A_167 : vector<16xi1>
        %or3A_169 = arith.ori %gt3A_165, %and3A_168 : vector<16xi1>
        %select_n3A_170 = arith.select %or3A_169, %masked_sort3A_163, %masked_sort3A_159 : vector<16xi1>, vector<16xf32>
        %select_n3A_171 = arith.select %or3A_169, %masked_sort3A_164, %masked_sort3A_160 : vector<16xi1>, vector<16xi32>
        %masked_sort3A_172 = arith.constant dense<true> : vector<16xi1>
        %masked_sort3A_173, %masked_sort3A_174, %masked_sort3A_175 = tpu.sort %select_n3A_170, %select_n3A_171 masked %masked_sort3A_172 : (vector<16xf32>, vector<16xi32>, vector<16xi1>) -> (vector<16xi1>, vector<16xf32>, vector<16xi32>)
        %broadcast_in_dim3A_176 = arith.constant 0 : i32
        %broadcast_in_dim3A_177 = vector.broadcast %broadcast_in_dim3A_176 : i32 to vector<16xi32>
        %broadcast_in_dim3A_178 = arith.constant 0 : i32
        %broadcast_in_dim3A_179 = vector.broadcast %broadcast_in_dim3A_178 : i32 to vector<16xi32>
        %broadcast_in_dim3A_180 = vector.shape_cast %broadcast_in_dim3A_179 : vector<16xi32> to vector<16x1xi32>
        %gather3A = vector.shape_cast %broadcast_in_dim3A_180 : vector<16x1xi32> to vector<16xi32>
        %gather3A_181 = tpu.dynamic_gather %masked_sort3A_174[%gather3A] in [0] : vector<16xf32>, vector<16xi32> -> vector<16xf32>
        %broadcast_in_dim3A_182 = vector.shape_cast %broadcast_in_dim3A_179 : vector<16xi32> to vector<16x1xi32>
        %gather3A_183 = vector.shape_cast %broadcast_in_dim3A_182 : vector<16x1xi32> to vector<16xi32>
        %gather3A_184 = tpu.dynamic_gather %masked_sort3A_175[%gather3A_183] in [0] : vector<16xi32>, vector<16xi32> -> vector<16xi32>
        %gt3A_185 = arith.cmpf ogt, %gather3A_181, %masked_sort3A_174 : vector<16xf32>
        %eq3A_186 = arith.cmpf oeq, %gather3A_181, %masked_sort3A_174 : vector<16xf32>
        %lt3A_187 = arith.cmpi slt, %gather3A_184, %masked_sort3A_175 : vector<16xi32>
        %and3A_188 = arith.andi %eq3A_186, %lt3A_187 : vector<16xi1>
        %or3A_189 = arith.ori %gt3A_185, %and3A_188 : vector<16xi1>
        %convert_element_type3A_190 = arith.extui %or3A_189 : vector<16xi1> to vector<16xi32>
        %add3A_191 = arith.addi %broadcast_in_dim3A_177, %convert_element_type3A_190 : vector<16xi32>
        %broadcast_in_dim3A_192 = arith.constant 1 : i32
        %broadcast_in_dim3A_193 = vector.broadcast %broadcast_in_dim3A_192 : i32 to vector<16xi32>
        %broadcast_in_dim3A_194 = vector.shape_cast %broadcast_in_dim3A_193 : vector<16xi32> to vector<16x1xi32>
        %gather3A_195 = vector.shape_cast %broadcast_in_dim3A_194 : vector<16x1xi32> to vector<16xi32>
        %gather3A_196 = tpu.dynamic_gather %masked_sort3A_174[%gather3A_195] in [0] : vector<16xf32>, vector<16xi32> -> vector<16xf32>
        %broadcast_in_dim3A_197 = vector.shape_cast %broadcast_in_dim3A_193 : vector<16xi32> to vector<16x1xi32>
        %gather3A_198 = vector.shape_cast %broadcast_in_dim3A_197 : vector<16x1xi32> to vector<16xi32>
        %gather3A_199 = tpu.dynamic_gather %masked_sort3A_175[%gather3A_198] in [0] : vector<16xi32>, vector<16xi32> -> vector<16xi32>
        %gt3A_200 = arith.cmpf ogt, %gather3A_196, %masked_sort3A_174 : vector<16xf32>
        %eq3A_201 = arith.cmpf oeq, %gather3A_196, %masked_sort3A_174 : vector<16xf32>
        %lt3A_202 = arith.cmpi slt, %gather3A_199, %masked_sort3A_175 : vector<16xi32>
        %and3A_203 = arith.andi %eq3A_201, %lt3A_202 : vector<16xi1>
        %or3A_204 = arith.ori %gt3A_200, %and3A_203 : vector<16xi1>
        %convert_element_type3A_205 = arith.extui %or3A_204 : vector<16xi1> to vector<16xi32>
        %add3A_206 = arith.addi %add3A_191, %convert_element_type3A_205 : vector<16xi32>
        %broadcast_in_dim3A_207 = arith.constant 2 : i32
        %broadcast_in_dim3A_208 = vector.broadcast %broadcast_in_dim3A_207 : i32 to vector<16xi32>
        %broadcast_in_dim3A_209 = vector.shape_cast %broadcast_in_dim3A_208 : vector<16xi32> to vector<16x1xi32>
        %gather3A_210 = vector.shape_cast %broadcast_in_dim3A_209 : vector<16x1xi32> to vector<16xi32>
        %gather3A_211 = tpu.dynamic_gather %masked_sort3A_174[%gather3A_210] in [0] : vector<16xf32>, vector<16xi32> -> vector<16xf32>
        %broadcast_in_dim3A_212 = vector.shape_cast %broadcast_in_dim3A_208 : vector<16xi32> to vector<16x1xi32>
        %gather3A_213 = vector.shape_cast %broadcast_in_dim3A_212 : vector<16x1xi32> to vector<16xi32>
        %gather3A_214 = tpu.dynamic_gather %masked_sort3A_175[%gather3A_213] in [0] : vector<16xi32>, vector<16xi32> -> vector<16xi32>
        %gt3A_215 = arith.cmpf ogt, %gather3A_211, %masked_sort3A_174 : vector<16xf32>
        %eq3A_216 = arith.cmpf oeq, %gather3A_211, %masked_sort3A_174 : vector<16xf32>
        %lt3A_217 = arith.cmpi slt, %gather3A_214, %masked_sort3A_175 : vector<16xi32>
        %and3A_218 = arith.andi %eq3A_216, %lt3A_217 : vector<16xi1>
        %or3A_219 = arith.ori %gt3A_215, %and3A_218 : vector<16xi1>
        %convert_element_type3A_220 = arith.extui %or3A_219 : vector<16xi1> to vector<16xi32>
        %add3A_221 = arith.addi %add3A_206, %convert_element_type3A_220 : vector<16xi32>
        %broadcast_in_dim3A_222 = arith.constant 3 : i32
        %broadcast_in_dim3A_223 = vector.broadcast %broadcast_in_dim3A_222 : i32 to vector<16xi32>
        %broadcast_in_dim3A_224 = vector.shape_cast %broadcast_in_dim3A_223 : vector<16xi32> to vector<16x1xi32>
        %gather3A_225 = vector.shape_cast %broadcast_in_dim3A_224 : vector<16x1xi32> to vector<16xi32>
        %gather3A_226 = tpu.dynamic_gather %masked_sort3A_174[%gather3A_225] in [0] : vector<16xf32>, vector<16xi32> -> vector<16xf32>
        %broadcast_in_dim3A_227 = vector.shape_cast %broadcast_in_dim3A_223 : vector<16xi32> to vector<16x1xi32>
        %gather3A_228 = vector.shape_cast %broadcast_in_dim3A_227 : vector<16x1xi32> to vector<16xi32>
        %gather3A_229 = tpu.dynamic_gather %masked_sort3A_175[%gather3A_228] in [0] : vector<16xi32>, vector<16xi32> -> vector<16xi32>
        %gt3A_230 = arith.cmpf ogt, %gather3A_226, %masked_sort3A_174 : vector<16xf32>
        %eq3A_231 = arith.cmpf oeq, %gather3A_226, %masked_sort3A_174 : vector<16xf32>
        %lt3A_232 = arith.cmpi slt, %gather3A_229, %masked_sort3A_175 : vector<16xi32>
        %and3A_233 = arith.andi %eq3A_231, %lt3A_232 : vector<16xi1>
        %or3A_234 = arith.ori %gt3A_230, %and3A_233 : vector<16xi1>
        %convert_element_type3A_235 = arith.extui %or3A_234 : vector<16xi1> to vector<16xi32>
        %add3A_236 = arith.addi %add3A_221, %convert_element_type3A_235 : vector<16xi32>
        %broadcast_in_dim3A_237 = arith.constant 4 : i32
        %broadcast_in_dim3A_238 = vector.broadcast %broadcast_in_dim3A_237 : i32 to vector<16xi32>
        %broadcast_in_dim3A_239 = vector.shape_cast %broadcast_in_dim3A_238 : vector<16xi32> to vector<16x1xi32>
        %gather3A_240 = vector.shape_cast %broadcast_in_dim3A_239 : vector<16x1xi32> to vector<16xi32>
        %gather3A_241 = tpu.dynamic_gather %masked_sort3A_174[%gather3A_240] in [0] : vector<16xf32>, vector<16xi32> -> vector<16xf32>
        %broadcast_in_dim3A_242 = vector.shape_cast %broadcast_in_dim3A_238 : vector<16xi32> to vector<16x1xi32>
        %gather3A_243 = vector.shape_cast %broadcast_in_dim3A_242 : vector<16x1xi32> to vector<16xi32>
        %gather3A_244 = tpu.dynamic_gather %masked_sort3A_175[%gather3A_243] in [0] : vector<16xi32>, vector<16xi32> -> vector<16xi32>
        %gt3A_245 = arith.cmpf ogt, %gather3A_241, %masked_sort3A_174 : vector<16xf32>
        %eq3A_246 = arith.cmpf oeq, %gather3A_241, %masked_sort3A_174 : vector<16xf32>
        %lt3A_247 = arith.cmpi slt, %gather3A_244, %masked_sort3A_175 : vector<16xi32>
        %and3A_248 = arith.andi %eq3A_246, %lt3A_247 : vector<16xi1>
        %or3A_249 = arith.ori %gt3A_245, %and3A_248 : vector<16xi1>
        %convert_element_type3A_250 = arith.extui %or3A_249 : vector<16xi1> to vector<16xi32>
        %add3A_251 = arith.addi %add3A_236, %convert_element_type3A_250 : vector<16xi32>
        %broadcast_in_dim3A_252 = arith.constant 5 : i32
        %broadcast_in_dim3A_253 = vector.broadcast %broadcast_in_dim3A_252 : i32 to vector<16xi32>
        %broadcast_in_dim3A_254 = vector.shape_cast %broadcast_in_dim3A_253 : vector<16xi32> to vector<16x1xi32>
        %gather3A_255 = vector.shape_cast %broadcast_in_dim3A_254 : vector<16x1xi32> to vector<16xi32>
        %gather3A_256 = tpu.dynamic_gather %masked_sort3A_174[%gather3A_255] in [0] : vector<16xf32>, vector<16xi32> -> vector<16xf32>
        %broadcast_in_dim3A_257 = vector.shape_cast %broadcast_in_dim3A_253 : vector<16xi32> to vector<16x1xi32>
        %gather3A_258 = vector.shape_cast %broadcast_in_dim3A_257 : vector<16x1xi32> to vector<16xi32>
        %gather3A_259 = tpu.dynamic_gather %masked_sort3A_175[%gather3A_258] in [0] : vector<16xi32>, vector<16xi32> -> vector<16xi32>
        %gt3A_260 = arith.cmpf ogt, %gather3A_256, %masked_sort3A_174 : vector<16xf32>
        %eq3A_261 = arith.cmpf oeq, %gather3A_256, %masked_sort3A_174 : vector<16xf32>
        %lt3A_262 = arith.cmpi slt, %gather3A_259, %masked_sort3A_175 : vector<16xi32>
        %and3A_263 = arith.andi %eq3A_261, %lt3A_262 : vector<16xi1>
        %or3A_264 = arith.ori %gt3A_260, %and3A_263 : vector<16xi1>
        %convert_element_type3A_265 = arith.extui %or3A_264 : vector<16xi1> to vector<16xi32>
        %add3A_266 = arith.addi %add3A_251, %convert_element_type3A_265 : vector<16xi32>
        %broadcast_in_dim3A_267 = arith.constant 6 : i32
        %broadcast_in_dim3A_268 = vector.broadcast %broadcast_in_dim3A_267 : i32 to vector<16xi32>
        %broadcast_in_dim3A_269 = vector.shape_cast %broadcast_in_dim3A_268 : vector<16xi32> to vector<16x1xi32>
        %gather3A_270 = vector.shape_cast %broadcast_in_dim3A_269 : vector<16x1xi32> to vector<16xi32>
        %gather3A_271 = tpu.dynamic_gather %masked_sort3A_174[%gather3A_270] in [0] : vector<16xf32>, vector<16xi32> -> vector<16xf32>
        %broadcast_in_dim3A_272 = vector.shape_cast %broadcast_in_dim3A_268 : vector<16xi32> to vector<16x1xi32>
        %gather3A_273 = vector.shape_cast %broadcast_in_dim3A_272 : vector<16x1xi32> to vector<16xi32>
        %gather3A_274 = tpu.dynamic_gather %masked_sort3A_175[%gather3A_273] in [0] : vector<16xi32>, vector<16xi32> -> vector<16xi32>
        %gt3A_275 = arith.cmpf ogt, %gather3A_271, %masked_sort3A_174 : vector<16xf32>
        %eq3A_276 = arith.cmpf oeq, %gather3A_271, %masked_sort3A_174 : vector<16xf32>
        %lt3A_277 = arith.cmpi slt, %gather3A_274, %masked_sort3A_175 : vector<16xi32>
        %and3A_278 = arith.andi %eq3A_276, %lt3A_277 : vector<16xi1>
        %or3A_279 = arith.ori %gt3A_275, %and3A_278 : vector<16xi1>
        %convert_element_type3A_280 = arith.extui %or3A_279 : vector<16xi1> to vector<16xi32>
        %add3A_281 = arith.addi %add3A_266, %convert_element_type3A_280 : vector<16xi32>
        %broadcast_in_dim3A_282 = arith.constant 7 : i32
        %broadcast_in_dim3A_283 = vector.broadcast %broadcast_in_dim3A_282 : i32 to vector<16xi32>
        %broadcast_in_dim3A_284 = vector.shape_cast %broadcast_in_dim3A_283 : vector<16xi32> to vector<16x1xi32>
        %gather3A_285 = vector.shape_cast %broadcast_in_dim3A_284 : vector<16x1xi32> to vector<16xi32>
        %gather3A_286 = tpu.dynamic_gather %masked_sort3A_174[%gather3A_285] in [0] : vector<16xf32>, vector<16xi32> -> vector<16xf32>
        %broadcast_in_dim3A_287 = vector.shape_cast %broadcast_in_dim3A_283 : vector<16xi32> to vector<16x1xi32>
        %gather3A_288 = vector.shape_cast %broadcast_in_dim3A_287 : vector<16x1xi32> to vector<16xi32>
        %gather3A_289 = tpu.dynamic_gather %masked_sort3A_175[%gather3A_288] in [0] : vector<16xi32>, vector<16xi32> -> vector<16xi32>
        %gt3A_290 = arith.cmpf ogt, %gather3A_286, %masked_sort3A_174 : vector<16xf32>
        %eq3A_291 = arith.cmpf oeq, %gather3A_286, %masked_sort3A_174 : vector<16xf32>
        %lt3A_292 = arith.cmpi slt, %gather3A_289, %masked_sort3A_175 : vector<16xi32>
        %and3A_293 = arith.andi %eq3A_291, %lt3A_292 : vector<16xi1>
        %or3A_294 = arith.ori %gt3A_290, %and3A_293 : vector<16xi1>
        %convert_element_type3A_295 = arith.extui %or3A_294 : vector<16xi1> to vector<16xi32>
        %add3A_296 = arith.addi %add3A_281, %convert_element_type3A_295 : vector<16xi32>
        %broadcast_in_dim3A_297 = arith.constant 8 : i32
        %broadcast_in_dim3A_298 = vector.broadcast %broadcast_in_dim3A_297 : i32 to vector<16xi32>
        %broadcast_in_dim3A_299 = vector.shape_cast %broadcast_in_dim3A_298 : vector<16xi32> to vector<16x1xi32>
        %gather3A_300 = vector.shape_cast %broadcast_in_dim3A_299 : vector<16x1xi32> to vector<16xi32>
        %gather3A_301 = tpu.dynamic_gather %masked_sort3A_174[%gather3A_300] in [0] : vector<16xf32>, vector<16xi32> -> vector<16xf32>
        %broadcast_in_dim3A_302 = vector.shape_cast %broadcast_in_dim3A_298 : vector<16xi32> to vector<16x1xi32>
        %gather3A_303 = vector.shape_cast %broadcast_in_dim3A_302 : vector<16x1xi32> to vector<16xi32>
        %gather3A_304 = tpu.dynamic_gather %masked_sort3A_175[%gather3A_303] in [0] : vector<16xi32>, vector<16xi32> -> vector<16xi32>
        %gt3A_305 = arith.cmpf ogt, %gather3A_301, %masked_sort3A_174 : vector<16xf32>
        %eq3A_306 = arith.cmpf oeq, %gather3A_301, %masked_sort3A_174 : vector<16xf32>
        %lt3A_307 = arith.cmpi slt, %gather3A_304, %masked_sort3A_175 : vector<16xi32>
        %and3A_308 = arith.andi %eq3A_306, %lt3A_307 : vector<16xi1>
        %or3A_309 = arith.ori %gt3A_305, %and3A_308 : vector<16xi1>
        %convert_element_type3A_310 = arith.extui %or3A_309 : vector<16xi1> to vector<16xi32>
        %add3A_311 = arith.addi %add3A_296, %convert_element_type3A_310 : vector<16xi32>
        %broadcast_in_dim3A_312 = arith.constant 9 : i32
        %broadcast_in_dim3A_313 = vector.broadcast %broadcast_in_dim3A_312 : i32 to vector<16xi32>
        %broadcast_in_dim3A_314 = vector.shape_cast %broadcast_in_dim3A_313 : vector<16xi32> to vector<16x1xi32>
        %gather3A_315 = vector.shape_cast %broadcast_in_dim3A_314 : vector<16x1xi32> to vector<16xi32>
        %gather3A_316 = tpu.dynamic_gather %masked_sort3A_174[%gather3A_315] in [0] : vector<16xf32>, vector<16xi32> -> vector<16xf32>
        %broadcast_in_dim3A_317 = vector.shape_cast %broadcast_in_dim3A_313 : vector<16xi32> to vector<16x1xi32>
        %gather3A_318 = vector.shape_cast %broadcast_in_dim3A_317 : vector<16x1xi32> to vector<16xi32>
        %gather3A_319 = tpu.dynamic_gather %masked_sort3A_175[%gather3A_318] in [0] : vector<16xi32>, vector<16xi32> -> vector<16xi32>
        %gt3A_320 = arith.cmpf ogt, %gather3A_316, %masked_sort3A_174 : vector<16xf32>
        %eq3A_321 = arith.cmpf oeq, %gather3A_316, %masked_sort3A_174 : vector<16xf32>
        %lt3A_322 = arith.cmpi slt, %gather3A_319, %masked_sort3A_175 : vector<16xi32>
        %and3A_323 = arith.andi %eq3A_321, %lt3A_322 : vector<16xi1>
        %or3A_324 = arith.ori %gt3A_320, %and3A_323 : vector<16xi1>
        %convert_element_type3A_325 = arith.extui %or3A_324 : vector<16xi1> to vector<16xi32>
        %add3A_326 = arith.addi %add3A_311, %convert_element_type3A_325 : vector<16xi32>
        %broadcast_in_dim3A_327 = arith.constant 10 : i32
        %broadcast_in_dim3A_328 = vector.broadcast %broadcast_in_dim3A_327 : i32 to vector<16xi32>
        %broadcast_in_dim3A_329 = vector.shape_cast %broadcast_in_dim3A_328 : vector<16xi32> to vector<16x1xi32>
        %gather3A_330 = vector.shape_cast %broadcast_in_dim3A_329 : vector<16x1xi32> to vector<16xi32>
        %gather3A_331 = tpu.dynamic_gather %masked_sort3A_174[%gather3A_330] in [0] : vector<16xf32>, vector<16xi32> -> vector<16xf32>
        %broadcast_in_dim3A_332 = vector.shape_cast %broadcast_in_dim3A_328 : vector<16xi32> to vector<16x1xi32>
        %gather3A_333 = vector.shape_cast %broadcast_in_dim3A_332 : vector<16x1xi32> to vector<16xi32>
        %gather3A_334 = tpu.dynamic_gather %masked_sort3A_175[%gather3A_333] in [0] : vector<16xi32>, vector<16xi32> -> vector<16xi32>
        %gt3A_335 = arith.cmpf ogt, %gather3A_331, %masked_sort3A_174 : vector<16xf32>
        %eq3A_336 = arith.cmpf oeq, %gather3A_331, %masked_sort3A_174 : vector<16xf32>
        %lt3A_337 = arith.cmpi slt, %gather3A_334, %masked_sort3A_175 : vector<16xi32>
        %and3A_338 = arith.andi %eq3A_336, %lt3A_337 : vector<16xi1>
        %or3A_339 = arith.ori %gt3A_335, %and3A_338 : vector<16xi1>
        %convert_element_type3A_340 = arith.extui %or3A_339 : vector<16xi1> to vector<16xi32>
        %add3A_341 = arith.addi %add3A_326, %convert_element_type3A_340 : vector<16xi32>
        %broadcast_in_dim3A_342 = arith.constant 11 : i32
        %broadcast_in_dim3A_343 = vector.broadcast %broadcast_in_dim3A_342 : i32 to vector<16xi32>
        %broadcast_in_dim3A_344 = vector.shape_cast %broadcast_in_dim3A_343 : vector<16xi32> to vector<16x1xi32>
        %gather3A_345 = vector.shape_cast %broadcast_in_dim3A_344 : vector<16x1xi32> to vector<16xi32>
        %gather3A_346 = tpu.dynamic_gather %masked_sort3A_174[%gather3A_345] in [0] : vector<16xf32>, vector<16xi32> -> vector<16xf32>
        %broadcast_in_dim3A_347 = vector.shape_cast %broadcast_in_dim3A_343 : vector<16xi32> to vector<16x1xi32>
        %gather3A_348 = vector.shape_cast %broadcast_in_dim3A_347 : vector<16x1xi32> to vector<16xi32>
        %gather3A_349 = tpu.dynamic_gather %masked_sort3A_175[%gather3A_348] in [0] : vector<16xi32>, vector<16xi32> -> vector<16xi32>
        %gt3A_350 = arith.cmpf ogt, %gather3A_346, %masked_sort3A_174 : vector<16xf32>
        %eq3A_351 = arith.cmpf oeq, %gather3A_346, %masked_sort3A_174 : vector<16xf32>
        %lt3A_352 = arith.cmpi slt, %gather3A_349, %masked_sort3A_175 : vector<16xi32>
        %and3A_353 = arith.andi %eq3A_351, %lt3A_352 : vector<16xi1>
        %or3A_354 = arith.ori %gt3A_350, %and3A_353 : vector<16xi1>
        %convert_element_type3A_355 = arith.extui %or3A_354 : vector<16xi1> to vector<16xi32>
        %add3A_356 = arith.addi %add3A_341, %convert_element_type3A_355 : vector<16xi32>
        %broadcast_in_dim3A_357 = arith.constant 12 : i32
        %broadcast_in_dim3A_358 = vector.broadcast %broadcast_in_dim3A_357 : i32 to vector<16xi32>
        %broadcast_in_dim3A_359 = vector.shape_cast %broadcast_in_dim3A_358 : vector<16xi32> to vector<16x1xi32>
        %gather3A_360 = vector.shape_cast %broadcast_in_dim3A_359 : vector<16x1xi32> to vector<16xi32>
        %gather3A_361 = tpu.dynamic_gather %masked_sort3A_174[%gather3A_360] in [0] : vector<16xf32>, vector<16xi32> -> vector<16xf32>
        %broadcast_in_dim3A_362 = vector.shape_cast %broadcast_in_dim3A_358 : vector<16xi32> to vector<16x1xi32>
        %gather3A_363 = vector.shape_cast %broadcast_in_dim3A_362 : vector<16x1xi32> to vector<16xi32>
        %gather3A_364 = tpu.dynamic_gather %masked_sort3A_175[%gather3A_363] in [0] : vector<16xi32>, vector<16xi32> -> vector<16xi32>
        %gt3A_365 = arith.cmpf ogt, %gather3A_361, %masked_sort3A_174 : vector<16xf32>
        %eq3A_366 = arith.cmpf oeq, %gather3A_361, %masked_sort3A_174 : vector<16xf32>
        %lt3A_367 = arith.cmpi slt, %gather3A_364, %masked_sort3A_175 : vector<16xi32>
        %and3A_368 = arith.andi %eq3A_366, %lt3A_367 : vector<16xi1>
        %or3A_369 = arith.ori %gt3A_365, %and3A_368 : vector<16xi1>
        %convert_element_type3A_370 = arith.extui %or3A_369 : vector<16xi1> to vector<16xi32>
        %add3A_371 = arith.addi %add3A_356, %convert_element_type3A_370 : vector<16xi32>
        %broadcast_in_dim3A_372 = arith.constant 13 : i32
        %broadcast_in_dim3A_373 = vector.broadcast %broadcast_in_dim3A_372 : i32 to vector<16xi32>
        %broadcast_in_dim3A_374 = vector.shape_cast %broadcast_in_dim3A_373 : vector<16xi32> to vector<16x1xi32>
        %gather3A_375 = vector.shape_cast %broadcast_in_dim3A_374 : vector<16x1xi32> to vector<16xi32>
        %gather3A_376 = tpu.dynamic_gather %masked_sort3A_174[%gather3A_375] in [0] : vector<16xf32>, vector<16xi32> -> vector<16xf32>
        %broadcast_in_dim3A_377 = vector.shape_cast %broadcast_in_dim3A_373 : vector<16xi32> to vector<16x1xi32>
        %gather3A_378 = vector.shape_cast %broadcast_in_dim3A_377 : vector<16x1xi32> to vector<16xi32>
        %gather3A_379 = tpu.dynamic_gather %masked_sort3A_175[%gather3A_378] in [0] : vector<16xi32>, vector<16xi32> -> vector<16xi32>
        %gt3A_380 = arith.cmpf ogt, %gather3A_376, %masked_sort3A_174 : vector<16xf32>
        %eq3A_381 = arith.cmpf oeq, %gather3A_376, %masked_sort3A_174 : vector<16xf32>
        %lt3A_382 = arith.cmpi slt, %gather3A_379, %masked_sort3A_175 : vector<16xi32>
        %and3A_383 = arith.andi %eq3A_381, %lt3A_382 : vector<16xi1>
        %or3A_384 = arith.ori %gt3A_380, %and3A_383 : vector<16xi1>
        %convert_element_type3A_385 = arith.extui %or3A_384 : vector<16xi1> to vector<16xi32>
        %add3A_386 = arith.addi %add3A_371, %convert_element_type3A_385 : vector<16xi32>
        %broadcast_in_dim3A_387 = arith.constant 14 : i32
        %broadcast_in_dim3A_388 = vector.broadcast %broadcast_in_dim3A_387 : i32 to vector<16xi32>
        %broadcast_in_dim3A_389 = vector.shape_cast %broadcast_in_dim3A_388 : vector<16xi32> to vector<16x1xi32>
        %gather3A_390 = vector.shape_cast %broadcast_in_dim3A_389 : vector<16x1xi32> to vector<16xi32>
        %gather3A_391 = tpu.dynamic_gather %masked_sort3A_174[%gather3A_390] in [0] : vector<16xf32>, vector<16xi32> -> vector<16xf32>
        %broadcast_in_dim3A_392 = vector.shape_cast %broadcast_in_dim3A_388 : vector<16xi32> to vector<16x1xi32>
        %gather3A_393 = vector.shape_cast %broadcast_in_dim3A_392 : vector<16x1xi32> to vector<16xi32>
        %gather3A_394 = tpu.dynamic_gather %masked_sort3A_175[%gather3A_393] in [0] : vector<16xi32>, vector<16xi32> -> vector<16xi32>
        %gt3A_395 = arith.cmpf ogt, %gather3A_391, %masked_sort3A_174 : vector<16xf32>
        %eq3A_396 = arith.cmpf oeq, %gather3A_391, %masked_sort3A_174 : vector<16xf32>
        %lt3A_397 = arith.cmpi slt, %gather3A_394, %masked_sort3A_175 : vector<16xi32>
        %and3A_398 = arith.andi %eq3A_396, %lt3A_397 : vector<16xi1>
        %or3A_399 = arith.ori %gt3A_395, %and3A_398 : vector<16xi1>
        %convert_element_type3A_400 = arith.extui %or3A_399 : vector<16xi1> to vector<16xi32>
        %add3A_401 = arith.addi %add3A_386, %convert_element_type3A_400 : vector<16xi32>
        %broadcast_in_dim3A_402 = arith.constant 15 : i32
        %broadcast_in_dim3A_403 = vector.broadcast %broadcast_in_dim3A_402 : i32 to vector<16xi32>
        %broadcast_in_dim3A_404 = vector.shape_cast %broadcast_in_dim3A_403 : vector<16xi32> to vector<16x1xi32>
        %gather3A_405 = vector.shape_cast %broadcast_in_dim3A_404 : vector<16x1xi32> to vector<16xi32>
        %gather3A_406 = tpu.dynamic_gather %masked_sort3A_174[%gather3A_405] in [0] : vector<16xf32>, vector<16xi32> -> vector<16xf32>
        %broadcast_in_dim3A_407 = vector.shape_cast %broadcast_in_dim3A_403 : vector<16xi32> to vector<16x1xi32>
        %gather3A_408 = vector.shape_cast %broadcast_in_dim3A_407 : vector<16x1xi32> to vector<16xi32>
        %gather3A_409 = tpu.dynamic_gather %masked_sort3A_175[%gather3A_408] in [0] : vector<16xi32>, vector<16xi32> -> vector<16xi32>
        %gt3A_410 = arith.cmpf ogt, %gather3A_406, %masked_sort3A_174 : vector<16xf32>
        %eq3A_411 = arith.cmpf oeq, %gather3A_406, %masked_sort3A_174 : vector<16xf32>
        %lt3A_412 = arith.cmpi slt, %gather3A_409, %masked_sort3A_175 : vector<16xi32>
        %and3A_413 = arith.andi %eq3A_411, %lt3A_412 : vector<16xi1>
        %or3A_414 = arith.ori %gt3A_410, %and3A_413 : vector<16xi1>
        %convert_element_type3A_415 = arith.extui %or3A_414 : vector<16xi1> to vector<16xi32>
        %add3A_416 = arith.addi %add3A_401, %convert_element_type3A_415 : vector<16xi32>
        %masked_sort3A_417 = arith.constant dense<true> : vector<16xi1>
        %masked_sort3A_418 = arith.constant -2147483648 : i32
        %masked_sort3A_419 = vector.broadcast %masked_sort3A_418 : i32 to vector<16xi32>
        %masked_sort3A_420 = arith.xori %add3A_416, %masked_sort3A_419 : vector<16xi32>
        %masked_sort3A_421, %masked_sort3A_422, %masked_sort3A_423 = tpu.sort %masked_sort3A_420, %masked_sort3A_175 masked %masked_sort3A_417 : (vector<16xi32>, vector<16xi32>, vector<16xi1>) -> (vector<16xi1>, vector<16xi32>, vector<16xi32>)
        %masked_sort3A_424 = arith.xori %masked_sort3A_422, %masked_sort3A_419 : vector<16xi32>
        %gather3A_425 = tpu.vector_load_idx %arg7[%masked_sort3A_423] : memref<4096xf32, #tpu.memory_space<vmem>>[vector<16xi32>], vector<16xf32>,
        %mul3A_426 = arith.constant 0.111111112 : f32
        %mul3A_427 = vector.broadcast %mul3A_426 : f32 to vector<16xf32>
        %mul3A_428 = arith.mulf %gather3A_425, %mul3A_427 : vector<16xf32>
        %mul3A_429 = arith.constant 4096 : i32
        %mul3A_430 = arith.muli %div3A_10, %mul3A_429 : i32
        %add3A_431 = vector.broadcast %mul3A_430 : i32 to vector<16xi32>
        %add3A_432 = arith.addi %masked_sort3A_423, %add3A_431 : vector<16xi32>
        %swap3A = arith.constant 0 : index
        %swap3A_433 = tpu.vector_load %arg8[%swap3A] {strides = array<i32>} : memref<16xi32, #tpu.memory_space<vmem>>, vector<16xi32>,
        tpu.vector_store %arg8[%swap3A], %add3A_432 {strides = array<i32>} : memref<16xi32, #tpu.memory_space<vmem>>, vector<16xi32>,
        %dma_start3A = arith.constant 0 : i32
        %dma_start3A_434 = arith.constant 0 : i32
        %dma_start3A_435 = tpu.memref_slice %arg4[%dma_start3A, %dma_start3A_434] : memref<65536x512xf32, #tpu.memory_space<hbm>> -> memref<65536x512xf32, #tpu.memory_space<hbm>>
        tpu.enqueue_indirect_dma source(%dma_start3A_435 : memref<65536x512xf32, #tpu.memory_space<hbm>>) target(%arg9 : memref<16x512xf32, #tpu.memory_space<vmem>>) offsets(%arg8 : memref<16xi32, #tpu.memory_space<vmem>>) semaphore(%arg11 : memref<!tpu.dma_semaphore, #tpu.memory_space<semaphore_mem>>)
        %dma_wait3A = arith.constant 0 : i32
        %dma_wait3A_436 = arith.constant 0 : i32
        %dma_wait3A_437 = tpu.memref_slice %arg4[%dma_wait3A, %dma_wait3A_436] : memref<65536x512xf32, #tpu.memory_space<hbm>> -> memref<65536x512xf32, #tpu.memory_space<hbm>>
        tpu.wait_indirect_dma semaphore(%arg11 : memref<!tpu.dma_semaphore, #tpu.memory_space<semaphore_mem>>) src(%dma_wait3A_437 : memref<65536x512xf32, #tpu.memory_space<hbm>>) dst(%arg9 : memref<16x512xf32, #tpu.memory_space<vmem>>)
        %scan3A_438 = arith.constant 0 : i32
        %scan3A_439 = arith.constant 0 : i32
        %scan3A_440 = arith.constant 32 : i32
        %scan3A_441 = arith.addi %scan3A_439, %scan3A_440 : i32
        %scan3A_442 = arith.constant 1 : i32
        scf.for %scan3A_444 = %scan3A_439 to %scan3A_441 step %scan3A_442  : i32 {
          %broadcast_in_dim3A_445 = arith.constant 0.000000e+00 : f32
          %broadcast_in_dim3A_446 = vector.broadcast %broadcast_in_dim3A_445 : f32 to vector<16xf32>
          %broadcast_in_dim3A_447 = arith.constant 0 : i32
          %broadcast_in_dim3A_448 = vector.broadcast %broadcast_in_dim3A_447 : i32 to vector<16xi32>
          %broadcast_in_dim3A_449 = vector.shape_cast %broadcast_in_dim3A_448 : vector<16xi32> to vector<16x1xi32>
          %gather3A_450 = vector.shape_cast %broadcast_in_dim3A_449 : vector<16x1xi32> to vector<16xi32>
          %gather3A_451 = tpu.dynamic_gather %mul3A_428[%gather3A_450] in [0] : vector<16xf32>, vector<16xi32> -> vector<16xf32>
          %mul3A_452 = arith.constant 16 : i32
          %mul3A_453 = arith.muli %scan3A_444, %mul3A_452 : i32
          %get3A = arith.constant 0 : i32
          %get3A_454 = arith.index_cast %get3A : i32 to index
          %get3A_455 = arith.index_cast %mul3A_453 : i32 to index
          %get3A_456 = tpu.vector_load %arg9[%get3A_454, %get3A_455] {strides = array<i32>} : memref<16x512xf32, #tpu.memory_space<vmem>>, vector<16xf32>,
          %mul3A_457 = arith.mulf %get3A_456, %gather3A_451 : vector<16xf32>
          %add3A_458 = arith.addf %broadcast_in_dim3A_446, %mul3A_457 : vector<16xf32>
          %broadcast_in_dim3A_459 = arith.constant 1 : i32
          %broadcast_in_dim3A_460 = vector.broadcast %broadcast_in_dim3A_459 : i32 to vector<16xi32>
          %broadcast_in_dim3A_461 = vector.shape_cast %broadcast_in_dim3A_460 : vector<16xi32> to vector<16x1xi32>
          %gather3A_462 = vector.shape_cast %broadcast_in_dim3A_461 : vector<16x1xi32> to vector<16xi32>
          %gather3A_463 = tpu.dynamic_gather %mul3A_428[%gather3A_462] in [0] : vector<16xf32>, vector<16xi32> -> vector<16xf32>
          %mul3A_464 = arith.constant 16 : i32
          %mul3A_465 = arith.muli %scan3A_444, %mul3A_464 : i32
          %get3A_466 = arith.constant 1 : i32
          %get3A_467 = arith.index_cast %get3A_466 : i32 to index
          %get3A_468 = arith.index_cast %mul3A_465 : i32 to index
          %get3A_469 = tpu.vector_load %arg9[%get3A_467, %get3A_468] {strides = array<i32>} : memref<16x512xf32, #tpu.memory_space<vmem>>, vector<16xf32>,
          %mul3A_470 = arith.mulf %get3A_469, %gather3A_463 : vector<16xf32>
          %add3A_471 = arith.addf %add3A_458, %mul3A_470 : vector<16xf32>
          %broadcast_in_dim3A_472 = arith.constant 2 : i32
          %broadcast_in_dim3A_473 = vector.broadcast %broadcast_in_dim3A_472 : i32 to vector<16xi32>
          %broadcast_in_dim3A_474 = vector.shape_cast %broadcast_in_dim3A_473 : vector<16xi32> to vector<16x1xi32>
          %gather3A_475 = vector.shape_cast %broadcast_in_dim3A_474 : vector<16x1xi32> to vector<16xi32>
          %gather3A_476 = tpu.dynamic_gather %mul3A_428[%gather3A_475] in [0] : vector<16xf32>, vector<16xi32> -> vector<16xf32>
          %mul3A_477 = arith.constant 16 : i32
          %mul3A_478 = arith.muli %scan3A_444, %mul3A_477 : i32
          %get3A_479 = arith.constant 2 : i32
          %get3A_480 = arith.index_cast %get3A_479 : i32 to index
          %get3A_481 = arith.index_cast %mul3A_478 : i32 to index
          %get3A_482 = tpu.vector_load %arg9[%get3A_480, %get3A_481] {strides = array<i32>} : memref<16x512xf32, #tpu.memory_space<vmem>>, vector<16xf32>,
          %mul3A_483 = arith.mulf %get3A_482, %gather3A_476 : vector<16xf32>
          %add3A_484 = arith.addf %add3A_471, %mul3A_483 : vector<16xf32>
          %broadcast_in_dim3A_485 = arith.constant 3 : i32
          %broadcast_in_dim3A_486 = vector.broadcast %broadcast_in_dim3A_485 : i32 to vector<16xi32>
          %broadcast_in_dim3A_487 = vector.shape_cast %broadcast_in_dim3A_486 : vector<16xi32> to vector<16x1xi32>
          %gather3A_488 = vector.shape_cast %broadcast_in_dim3A_487 : vector<16x1xi32> to vector<16xi32>
          %gather3A_489 = tpu.dynamic_gather %mul3A_428[%gather3A_488] in [0] : vector<16xf32>, vector<16xi32> -> vector<16xf32>
          %mul3A_490 = arith.constant 16 : i32
          %mul3A_491 = arith.muli %scan3A_444, %mul3A_490 : i32
          %get3A_492 = arith.constant 3 : i32
          %get3A_493 = arith.index_cast %get3A_492 : i32 to index
          %get3A_494 = arith.index_cast %mul3A_491 : i32 to index
          %get3A_495 = tpu.vector_load %arg9[%get3A_493, %get3A_494] {strides = array<i32>} : memref<16x512xf32, #tpu.memory_space<vmem>>, vector<16xf32>,
          %mul3A_496 = arith.mulf %get3A_495, %gather3A_489 : vector<16xf32>
          %add3A_497 = arith.addf %add3A_484, %mul3A_496 : vector<16xf32>
          %broadcast_in_dim3A_498 = arith.constant 4 : i32
          %broadcast_in_dim3A_499 = vector.broadcast %broadcast_in_dim3A_498 : i32 to vector<16xi32>
          %broadcast_in_dim3A_500 = vector.shape_cast %broadcast_in_dim3A_499 : vector<16xi32> to vector<16x1xi32>
          %gather3A_501 = vector.shape_cast %broadcast_in_dim3A_500 : vector<16x1xi32> to vector<16xi32>
          %gather3A_502 = tpu.dynamic_gather %mul3A_428[%gather3A_501] in [0] : vector<16xf32>, vector<16xi32> -> vector<16xf32>
          %mul3A_503 = arith.constant 16 : i32
          %mul3A_504 = arith.muli %scan3A_444, %mul3A_503 : i32
          %get3A_505 = arith.constant 4 : i32
          %get3A_506 = arith.index_cast %get3A_505 : i32 to index
          %get3A_507 = arith.index_cast %mul3A_504 : i32 to index
          %get3A_508 = tpu.vector_load %arg9[%get3A_506, %get3A_507] {strides = array<i32>} : memref<16x512xf32, #tpu.memory_space<vmem>>, vector<16xf32>,
          %mul3A_509 = arith.mulf %get3A_508, %gather3A_502 : vector<16xf32>
          %add3A_510 = arith.addf %add3A_497, %mul3A_509 : vector<16xf32>
          %broadcast_in_dim3A_511 = arith.constant 5 : i32
          %broadcast_in_dim3A_512 = vector.broadcast %broadcast_in_dim3A_511 : i32 to vector<16xi32>
          %broadcast_in_dim3A_513 = vector.shape_cast %broadcast_in_dim3A_512 : vector<16xi32> to vector<16x1xi32>
          %gather3A_514 = vector.shape_cast %broadcast_in_dim3A_513 : vector<16x1xi32> to vector<16xi32>
          %gather3A_515 = tpu.dynamic_gather %mul3A_428[%gather3A_514] in [0] : vector<16xf32>, vector<16xi32> -> vector<16xf32>
          %mul3A_516 = arith.constant 16 : i32
          %mul3A_517 = arith.muli %scan3A_444, %mul3A_516 : i32
          %get3A_518 = arith.constant 5 : i32
          %get3A_519 = arith.index_cast %get3A_518 : i32 to index
          %get3A_520 = arith.index_cast %mul3A_517 : i32 to index
          %get3A_521 = tpu.vector_load %arg9[%get3A_519, %get3A_520] {strides = array<i32>} : memref<16x512xf32, #tpu.memory_space<vmem>>, vector<16xf32>,
          %mul3A_522 = arith.mulf %get3A_521, %gather3A_515 : vector<16xf32>
          %add3A_523 = arith.addf %add3A_510, %mul3A_522 : vector<16xf32>
          %broadcast_in_dim3A_524 = arith.constant 6 : i32
          %broadcast_in_dim3A_525 = vector.broadcast %broadcast_in_dim3A_524 : i32 to vector<16xi32>
          %broadcast_in_dim3A_526 = vector.shape_cast %broadcast_in_dim3A_525 : vector<16xi32> to vector<16x1xi32>
          %gather3A_527 = vector.shape_cast %broadcast_in_dim3A_526 : vector<16x1xi32> to vector<16xi32>
          %gather3A_528 = tpu.dynamic_gather %mul3A_428[%gather3A_527] in [0] : vector<16xf32>, vector<16xi32> -> vector<16xf32>
          %mul3A_529 = arith.constant 16 : i32
          %mul3A_530 = arith.muli %scan3A_444, %mul3A_529 : i32
          %get3A_531 = arith.constant 6 : i32
          %get3A_532 = arith.index_cast %get3A_531 : i32 to index
          %get3A_533 = arith.index_cast %mul3A_530 : i32 to index
          %get3A_534 = tpu.vector_load %arg9[%get3A_532, %get3A_533] {strides = array<i32>} : memref<16x512xf32, #tpu.memory_space<vmem>>, vector<16xf32>,
          %mul3A_535 = arith.mulf %get3A_534, %gather3A_528 : vector<16xf32>
          %add3A_536 = arith.addf %add3A_523, %mul3A_535 : vector<16xf32>
          %broadcast_in_dim3A_537 = arith.constant 7 : i32
          %broadcast_in_dim3A_538 = vector.broadcast %broadcast_in_dim3A_537 : i32 to vector<16xi32>
          %broadcast_in_dim3A_539 = vector.shape_cast %broadcast_in_dim3A_538 : vector<16xi32> to vector<16x1xi32>
          %gather3A_540 = vector.shape_cast %broadcast_in_dim3A_539 : vector<16x1xi32> to vector<16xi32>
          %gather3A_541 = tpu.dynamic_gather %mul3A_428[%gather3A_540] in [0] : vector<16xf32>, vector<16xi32> -> vector<16xf32>
          %mul3A_542 = arith.constant 16 : i32
          %mul3A_543 = arith.muli %scan3A_444, %mul3A_542 : i32
          %get3A_544 = arith.constant 7 : i32
          %get3A_545 = arith.index_cast %get3A_544 : i32 to index
          %get3A_546 = arith.index_cast %mul3A_543 : i32 to index
          %get3A_547 = tpu.vector_load %arg9[%get3A_545, %get3A_546] {strides = array<i32>} : memref<16x512xf32, #tpu.memory_space<vmem>>, vector<16xf32>,
          %mul3A_548 = arith.mulf %get3A_547, %gather3A_541 : vector<16xf32>
          %add3A_549 = arith.addf %add3A_536, %mul3A_548 : vector<16xf32>
          %broadcast_in_dim3A_550 = arith.constant 8 : i32
          %broadcast_in_dim3A_551 = vector.broadcast %broadcast_in_dim3A_550 : i32 to vector<16xi32>
          %broadcast_in_dim3A_552 = vector.shape_cast %broadcast_in_dim3A_551 : vector<16xi32> to vector<16x1xi32>
          %gather3A_553 = vector.shape_cast %broadcast_in_dim3A_552 : vector<16x1xi32> to vector<16xi32>
          %gather3A_554 = tpu.dynamic_gather %mul3A_428[%gather3A_553] in [0] : vector<16xf32>, vector<16xi32> -> vector<16xf32>
          %mul3A_555 = arith.constant 16 : i32
          %mul3A_556 = arith.muli %scan3A_444, %mul3A_555 : i32
          %get3A_557 = arith.constant 8 : i32
          %get3A_558 = arith.index_cast %get3A_557 : i32 to index
          %get3A_559 = arith.index_cast %mul3A_556 : i32 to index
          %get3A_560 = tpu.vector_load %arg9[%get3A_558, %get3A_559] {strides = array<i32>} : memref<16x512xf32, #tpu.memory_space<vmem>>, vector<16xf32>,
          %mul3A_561 = arith.mulf %get3A_560, %gather3A_554 : vector<16xf32>
          %add3A_562 = arith.addf %add3A_549, %mul3A_561 : vector<16xf32>
          %mul3A_563 = arith.constant 16 : i32
          %mul3A_564 = arith.muli %scan3A_444, %mul3A_563 : i32
          %swap3A_565 = arith.index_cast %mul3A_564 : i32 to index
          %swap3A_566 = tpu.vector_load %arg10[%swap3A_565] {strides = array<i32>} : memref<512xf32, #tpu.memory_space<vmem>>, vector<16xf32>,
          tpu.vector_store %arg10[%swap3A_565], %add3A_562 {strides = array<i32>} : memref<512xf32, #tpu.memory_space<vmem>>, vector<16xf32>,
        }
        %scan3A_443 = arith.constant 32 : i32
        "tpu.region"() ({
          %run_scoped3A = tpu.sem_alloc : memref<!tpu.dma_semaphore, #tpu.memory_space<semaphore_mem>>
          %dma_start3A_444 = arith.constant 0 : i32
          %dma_start3A_445 = tpu.memref_slice %arg5[%add3A_14, %dma_start3A_444] : memref<128x512xf32, #tpu.memory_space<hbm>> -> memref<1x512xf32, #tpu.memory_space<hbm>>
          %dma_start3A_446 = tpu.memref_squeeze %dma_start3A_445 : memref<1x512xf32, #tpu.memory_space<hbm>> -> memref<512xf32, #tpu.memory_space<hbm>>
          %dma_start3A_447 = arith.constant 0 : i32
          %dma_start3A_448 = tpu.memref_slice %arg5[%add3A_14, %dma_start3A_447] : memref<128x512xf32, #tpu.memory_space<hbm>> -> memref<1x512xf32, #tpu.memory_space<hbm>>
          %dma_start3A_449 = tpu.memref_squeeze %dma_start3A_448 : memref<1x512xf32, #tpu.memory_space<hbm>> -> memref<512xf32, #tpu.memory_space<hbm>>
          tpu.enqueue_dma source(%arg10 : memref<512xf32, #tpu.memory_space<vmem>>) target(%dma_start3A_449 : memref<512xf32, #tpu.memory_space<hbm>>) target_semaphore(%run_scoped3A : memref<!tpu.dma_semaphore, #tpu.memory_space<semaphore_mem>>)
          %dma_wait3A_450 = arith.constant 0 : i32
          %dma_wait3A_451 = tpu.memref_slice %arg5[%add3A_14, %dma_wait3A_450] : memref<128x512xf32, #tpu.memory_space<hbm>> -> memref<1x512xf32, #tpu.memory_space<hbm>>
          %dma_wait3A_452 = tpu.memref_squeeze %dma_wait3A_451 : memref<1x512xf32, #tpu.memory_space<hbm>> -> memref<512xf32, #tpu.memory_space<hbm>>
          %dma_wait3A_453 = arith.constant 0 : i32
          %dma_wait3A_454 = tpu.memref_slice %arg5[%add3A_14, %dma_wait3A_453] : memref<128x512xf32, #tpu.memory_space<hbm>> -> memref<1x512xf32, #tpu.memory_space<hbm>>
          %dma_wait3A_455 = tpu.memref_squeeze %dma_wait3A_454 : memref<1x512xf32, #tpu.memory_space<hbm>> -> memref<512xf32, #tpu.memory_space<hbm>>
          tpu.wait_dma2 semaphore(%run_scoped3A : memref<!tpu.dma_semaphore, #tpu.memory_space<semaphore_mem>>) src(%arg10 : memref<512xf32, #tpu.memory_space<vmem>>) dst(%dma_wait3A_455 : memref<512xf32, #tpu.memory_space<hbm>>)
          tpu.yield
        }) : () -> ()
      } else {
      }
    }
    %scan3A_5 = arith.constant 3 : i32
    return
  }
}

module attributes {stable_mosaic.version = 14 : i64} {
  func.func @_tc_sims_kernel(%arg0: i32, %arg1: memref<1x8x512xf32, #tpu.memory_space<vmem>>, %arg2: memref<1x4096x512xf32, #tpu.memory_space<vmem>>, %arg3: memref<1x8x4096xf32, #tpu.memory_space<vmem>>, %arg4: memref<1x1x4096xf32, #tpu.memory_space<vmem>>) attributes {dimension_semantics = [#tpu.dimension_semantics<arbitrary>], iteration_bounds = array<i64: 16>, scalar_prefetch = 0 : i64, scratch_operands = 0 : i64, tpu.core_type = #tpu.core_type<tc>, window_params = [{transform_indices = @transform_0, window_bounds = array<i64: 1, 8, 512>}, {transform_indices = @transform_1, window_bounds = array<i64: 1, 4096, 512>}, {transform_indices = @transform_2, window_bounds = array<i64: 1, 8, 4096>}, {transform_indices = @transform_3, window_bounds = array<i64: 1, 1, 4096>}]} {
    %get3A = arith.constant 0 : index
    %get3A_0 = arith.constant 0 : index
    %get3A_1 = arith.constant 0 : index
    %get3A_2 = vector.load %arg1[%get3A, %get3A_0, %get3A_1] : memref<1x8x512xf32, #tpu.memory_space<vmem>>, vector<1x8x512xf32>
    %get3A_3 = vector.shape_cast %get3A_2 : vector<1x8x512xf32> to vector<8x512xf32>
    %get3A_4 = arith.constant 0 : index
    %get3A_5 = arith.constant 0 : index
    %get3A_6 = arith.constant 0 : index
    %get3A_7 = vector.load %arg2[%get3A_4, %get3A_5, %get3A_6] : memref<1x4096x512xf32, #tpu.memory_space<vmem>>, vector<1x4096x512xf32>
    %get3A_8 = vector.shape_cast %get3A_7 : vector<1x4096x512xf32> to vector<4096x512xf32>
    %mul3A = arith.mulf %get3A_3, %get3A_3 : vector<8x512xf32>
    %reduce_sum3A = arith.constant dense<0.000000e+00> : vector<8xf32>
    %reduce_sum3A_9 = vector.multi_reduction <add>, %mul3A, %reduce_sum3A [1] : vector<8x512xf32> to vector<8xf32>
    %broadcast_in_dim3A = vector.shape_cast %reduce_sum3A_9 : vector<8xf32> to vector<8x1xf32>
    %sqrt3A = math.sqrt %broadcast_in_dim3A : vector<8x1xf32>
    %max3A = arith.constant 9.99999996E-13 : f32
    %max3A_10 = vector.broadcast %max3A : f32 to vector<8x1xf32>
    %max3A_11 = arith.maximumf %sqrt3A, %max3A_10 : vector<8x1xf32>
    %div3A = vector.broadcast %max3A_11 : vector<8x1xf32> to vector<8x512xf32>
    %div3A_12 = arith.divf %get3A_3, %div3A : vector<8x512xf32>
    %mul3A_13 = arith.mulf %get3A_8, %get3A_8 : vector<4096x512xf32>
    %slice3A = vector.extract_strided_slice %mul3A_13 {offsets = [0, 0], sizes = [4096, 256], strides = [1, 1]} : vector<4096x512xf32> to vector<4096x256xf32>
    %slice3A_14 = vector.extract_strided_slice %mul3A_13 {offsets = [0, 256], sizes = [4096, 256], strides = [1, 1]} : vector<4096x512xf32> to vector<4096x256xf32>
    %add3A = arith.addf %slice3A, %slice3A_14 : vector<4096x256xf32>
    %slice3A_15 = vector.extract_strided_slice %add3A {offsets = [0, 0], sizes = [4096, 128], strides = [1, 1]} : vector<4096x256xf32> to vector<4096x128xf32>
    %slice3A_16 = vector.extract_strided_slice %add3A {offsets = [0, 128], sizes = [4096, 128], strides = [1, 1]} : vector<4096x256xf32> to vector<4096x128xf32>
    %add3A_17 = arith.addf %slice3A_15, %slice3A_16 : vector<4096x128xf32>
    %transpose3A = tpu.transpose %add3A_17, [1, 0] : vector<4096x128xf32> -> vector<128x4096xf32>
    %reduce_sum3A_18 = arith.constant dense<0.000000e+00> : vector<4096xf32>
    %reduce_sum3A_19 = vector.multi_reduction <add>, %transpose3A, %reduce_sum3A_18 [0] : vector<128x4096xf32> to vector<4096xf32>
    %broadcast_in_dim3A_20 = vector.shape_cast %reduce_sum3A_19 : vector<4096xf32> to vector<1x4096xf32>
    %sqrt3A_21 = math.sqrt %broadcast_in_dim3A_20 : vector<1x4096xf32>
    %max3A_22 = arith.constant 9.99999996E-13 : f32
    %max3A_23 = vector.broadcast %max3A_22 : f32 to vector<1x4096xf32>
    %max3A_24 = arith.maximumf %sqrt3A_21, %max3A_23 : vector<1x4096xf32>
    %div3A_25 = arith.constant 1.000000e+00 : f32
    %div3A_26 = vector.broadcast %div3A_25 : f32 to vector<1x4096xf32>
    %div3A_27 = arith.divf %div3A_26, %max3A_24 : vector<1x4096xf32>
    %transpose3A_28 = tpu.transpose %div3A_27, [1, 0] : vector<1x4096xf32> -> vector<4096x1xf32>
    %mul3A_29 = vector.broadcast %transpose3A_28 : vector<4096x1xf32> to vector<4096x512xf32>
    %mul3A_30 = arith.mulf %get3A_8, %mul3A_29 : vector<4096x512xf32>
    %dot_general3A = arith.constant dense<0.000000e+00> : vector<8x4096xf32>
    %dot_general3A_31 = tpu.matmul %div3A_12, %mul3A_30, %dot_general3A {dimension_numbers = #tpu.dot_dimension_numbers<[1], [1], [0], [0], [0, 0, 1, 0], [], []>, transpose_lhs_hint = false} : vector<8x512xf32>, vector<4096x512xf32>, vector<8x4096xf32> -> vector<8x4096xf32>
    %swap3A = arith.constant 0 : index
    %swap3A_32 = arith.constant 0 : index
    %swap3A_33 = arith.constant 0 : index
    %swap3A_34 = vector.load %arg3[%swap3A, %swap3A_32, %swap3A_33] : memref<1x8x4096xf32, #tpu.memory_space<vmem>>, vector<1x8x4096xf32>
    %swap3A_35 = vector.shape_cast %swap3A_34 : vector<1x8x4096xf32> to vector<8x4096xf32>
    %swap3A_36 = vector.shape_cast %dot_general3A_31 : vector<8x4096xf32> to vector<1x8x4096xf32>
    tpu.vector_store %arg3[%swap3A, %swap3A_32, %swap3A_33], %swap3A_36 {strides = array<i32>} : memref<1x8x4096xf32, #tpu.memory_space<vmem>>, vector<1x8x4096xf32>,
    %swap3A_37 = arith.constant 0 : index
    %swap3A_38 = arith.constant 0 : index
    %swap3A_39 = arith.constant 0 : index
    %swap3A_40 = vector.load %arg4[%swap3A_37, %swap3A_38, %swap3A_39] : memref<1x1x4096xf32, #tpu.memory_space<vmem>>, vector<1x1x4096xf32>
    %swap3A_41 = vector.shape_cast %swap3A_40 : vector<1x1x4096xf32> to vector<1x4096xf32>
    %swap3A_42 = vector.shape_cast %div3A_27 : vector<1x4096xf32> to vector<1x1x4096xf32>
    tpu.vector_store %arg4[%swap3A_37, %swap3A_38, %swap3A_39], %swap3A_42 {strides = array<i32>} : memref<1x1x4096xf32, #tpu.memory_space<vmem>>, vector<1x1x4096xf32>,
    return
  }
  func.func @transform_0(%arg0: i32) -> (i32, i32, i32) {
    %c0_i32 = arith.constant 0 : i32
    %c0_i32_0 = arith.constant 0 : i32
    %c0_i32_1 = arith.constant 0 : i32
    return %arg0, %c0_i32, %c0_i32_0 : i32, i32, i32
  }
  func.func @transform_1(%arg0: i32) -> (i32, i32, i32) {
    %c0_i32 = arith.constant 0 : i32
    %c0_i32_0 = arith.constant 0 : i32
    %c0_i32_1 = arith.constant 0 : i32
    return %arg0, %c0_i32, %c0_i32_0 : i32, i32, i32
  }
  func.func @transform_2(%arg0: i32) -> (i32, i32, i32) {
    %c0_i32 = arith.constant 0 : i32
    %c0_i32_0 = arith.constant 0 : i32
    %c0_i32_1 = arith.constant 0 : i32
    return %arg0, %c0_i32, %c0_i32_0 : i32, i32, i32
  }
  func.func @transform_3(%arg0: i32) -> (i32, i32, i32) {
    %c0_i32 = arith.constant 0 : i32
    %c0_i32_0 = arith.constant 0 : i32
    %c0_i32_1 = arith.constant 0 : i32
    return %arg0, %c0_i32, %c0_i32_0 : i32, i32, i32
  }
}

</mosaic_0001>

<sc_bundles>
// kernel: kernel.4.cloned.1.call-start
scs
__scs_entry_jumppad:
0x0: {  	(pc) =	sbr.rel $0x88, $3  }
0x1: {  	(tag) =	ssettag $0x0;
	lr =	simm.s32 $0x1  }
0x2: {  	[smem:$0x3F9F] =	sst lr;
	_ =	strace $0xD0000000  }
0x3: {  	_ = 	snop  }
0x4: {  	_ = 	snop  }
0x5: {  	_ = 	snop  }
0x6: {  	_ = 	snop  }
0x7: {  	_ = 	snop  }
__scs_overlays_trampoline_lowered:
0x8: {  	[smem:$0x3FAE] =	sst s0  }
0x9: {  	[smem:$0x3FAF] =	sst s1  }
0xa: {  	[smem:$0x3FB0] =	sst s2  }
0xb: {  	[smem:$0x3FB1] =	sst s3  }
0xc: {  	[smem:$0x3FB2] =	sst s4  }
0xd: {  	[smem:$0x3FB3] =	sst s5  }
0xe: {  	[smem:$0x3FB4] =	sst s6  }
0xf: {  	[smem:$0x3FB5] =	sst s7  }
0x10: {  	[smem:$0x3FB6] =	sst s8  }
0x11: {  	[smem:$0x3FB7] =	sst s9;
	s0 =	simm.s32 @!p0 $0x0  }
0x12: {  	s1 =	sld [smem:$0x3F9D];
	s0 =	simm.s32 @p0 $0x1  }
0x13: {  	[smem:$0x3FB8] =	sst s0;
	s0 =	simm.s32 @!p1 $0x0  }
0x14: {  	s2 =	sld [smem:$0x3F9C];
	s0 =	simm.s32 @p1 $0x1  }
0x15: {  	[smem:$0x3FB9] =	sst s0;
	s0 =	simm.s32 @!p2 $0x0  }
0x16: {  	s3 =	sld [smem:$0x3FDB];
	s0 =	simm.s32 @p2 $0x1  }
0x17: {  	s4 =	simm.s32 $0x1BF5;
	[smem:$0x3FBB] =	sst s0  }
0x18: {  	s0 =	sld [smem:$0x3F9E];
	_ =	swait.ge [sflag:s4], $0x0  }
0x19: {  	s7 =	sld [smem:$0x3F9F]  }
0x1a: {  	s8 =	sadd.s32 $0xFFFFE003, lr  }
0x1b: {  	s9 =	sadd.s32 $0xFFFFFEF7, lr;
	s5 =	simm.s32 $0xFFFFFFFF;
	p2 =	slt.u32 s8, $0xFFFFF086  }
0x1c: {  	p1 =	slt.u32 s9, $0xF7A;
	s5 =	simm.s32 @!p2 $0x0  }
0x1d: {  	s5 =	simm.s32 @p1 $0x1;
	p0 =	seq.s32 s7, s2  }
0x1e: {  	s7 =	smul.u32 @!p0 $0xF7A, s2;
	p2 =	seq.s32 @!p0 s5, $0x0  }
0x1f: {  	s9 =	smul.u32 $0xF7A, s1;
	s8 =	simm.s32 @!p0 $0x1BF5;
	p2 =	por !p2, p0  }
0x20: {  	[sflag:s8] =	ssyncset.s32 @!p0 $0xFFFFF086;
	s6 =	sadd.s32 @!p0 s3, s7;
	s7 =	simm.s32 @!p0 $0x108  }
0x21: {  	s3 =	sadd.s32 s3, s9;
	s6 =	sadd.s32 @!p0 $0x88, s6;
	s7 =	simm.s32 @p2 $0x1082  }
0x22: {  	[simem:s7], [sflag:s8] =	dma.local @!p0 [hbm:s6], $0xF7A  }
0x23: {  	s9 =	sor.u32 $0xD0000000, s2;
	s6 =	simm.s32 $0x108;
	_ =	swait.ge @!p0 [sflag:s8], $0x0  }
0x24: {  	s3 =	sadd.s32 $0x88, s3;
	s6 =	simm.s32 @!p1 $0x1082;
	[sflag:s4] =	ssyncset.s32 $0xFFFFF086  }
0x25: {  	[simem:s6], [sflag:s4] =	dma.local [hbm:s3], $0xF7A  }
0x26: {  	[smem:$0x3F9F] =	sst s1;
	(tag) =	ssettag s2;
	_ =	strace s9  }
0x27: {  	s1 =	sld [smem:$0x3FAF]  }
0x28: {  	s2 =	sld [smem:$0x3FB0]  }
0x29: {  	s4 =	sld [smem:$0x3FB2]  }
0x2a: {  	p0 =	seq.s32 s5, $0x0;
	s5 =	sld [smem:$0x3FB3]  }
0x2b: {  	s6 =	sld [smem:$0x3FB4]  }
0x2c: {  	s7 =	sld [smem:$0x3FB5]  }
0x2d: {  	s3 =	simm.s32 $0x108;
	s8 =	sld [smem:$0x3FB6]  }
0x2e: {  	s3 =	simm.s32 @!p0 $0x1082;
	s9 =	sld [smem:$0x3FB7]  }
0x2f: {  	lr =	sadd.s32 s0, s3;
	s0 =	sld [smem:$0x3FAE]  }
0x30: {  	s3 =	sld [smem:$0x3FB1]  }
0x31: {  	[smem:$0x3FBA] =	sst s10  }
0x32: {  	s10 =	sld [smem:$0x3FB8];
	_ =	sdelay $0x3  }
0x33: {  	p0 =	seq.s32 s10, $0x1;
	s10 =	sld [smem:$0x3FBA];
	_ =	sdelay $0x3  }
0x34: {  	[smem:$0x3FBA] =	sst s10  }
0x35: {  	s10 =	sld [smem:$0x3FB9];
	_ =	sdelay $0x3  }
0x36: {  	p1 =	seq.s32 s10, $0x1;
	s10 =	sld [smem:$0x3FBA];
	_ =	sdelay $0x3  }
0x37: {  	[smem:$0x3FBA] =	sst s10  }
0x38: {  	s10 =	sld [smem:$0x3FBB]  }
0x39: {  	_ = 	snop;
	(pc) =	sbr.ind lr, $3  }
0x3a: {  	_ = 	snop  }
0x3b: {  	_ = 	snop  }
0x3c: {  	p2 =	seq.s32 s10, $0x1;
	s10 =	sld [smem:$0x3FBA]  }
0x3d: {  	_ =	shalt  }
0x3e: {  	_ =	shalt  }
0x3f: {  	_ =	shalt  }
0x40: {  	_ =	shalt  }
0x41: {  	_ =	shalt  }
0x42: {  	_ =	shalt  }
0x43: {  	_ =	shalt  }
0x44: {  	_ =	shalt  }
0x45: {  	_ =	shalt  }
0x46: {  	_ =	shalt  }
0x47: {  	_ =	shalt  }
0x48: {  	_ =	shalt  }
0x49: {  	_ =	shalt  }
0x4a: {  	_ =	shalt  }
0x4b: {  	_ =	shalt  }
0x4c: {  	_ =	shalt  }
0x4d: {  	_ =	shalt  }
0x4e: {  	_ =	shalt  }
0x4f: {  	_ =	shalt  }
0x50: {  	_ =	shalt  }
0x51: {  	_ =	shalt  }
0x52: {  	_ =	shalt  }
0x53: {  	_ =	shalt  }
0x54: {  	_ =	shalt  }
0x55: {  	_ =	shalt  }
0x56: {  	_ =	shalt  }
0x57: {  	_ =	shalt  }
0x58: {  	_ =	shalt  }
0x59: {  	_ =	shalt  }
0x5a: {  	_ =	shalt  }
0x5b: {  	_ =	shalt  }
0x5c: {  	_ =	shalt  }
0x5d: {  	_ =	shalt  }
0x5e: {  	_ =	shalt  }
0x5f: {  	_ =	shalt  }
0x60: {  	_ =	shalt  }
0x61: {  	_ =	shalt  }
0x62: {  	_ =	shalt  }
0x63: {  	_ =	shalt  }
0x64: {  	_ =	shalt  }
0x65: {  	_ =	shalt  }
0x66: {  	_ =	shalt  }
0x67: {  	_ =	shalt  }
0x68: {  	_ =	shalt  }
0x69: {  	_ =	shalt  }
0x6a: {  	_ =	shalt  }
0x6b: {  	_ =	shalt  }
0x6c: {  	_ =	shalt  }
0x6d: {  	_ =	shalt  }
0x6e: {  	_ =	shalt  }
0x6f: {  	_ =	shalt  }
0x70: {  	_ =	shalt  }
0x71: {  	_ =	shalt  }
0x72: {  	_ =	shalt  }
0x73: {  	_ =	shalt  }
0x74: {  	_ =	shalt  }
0x75: {  	_ =	shalt  }
0x76: {  	_ =	shalt  }
0x77: {  	_ =	shalt  }
0x78: {  	_ =	shalt  }
0x79: {  	_ =	shalt  }
0x7a: {  	_ =	shalt  }
0x7b: {  	_ =	shalt  }
0x7c: {  	_ =	shalt  }
0x7d: {  	_ =	shalt  }
0x7e: {  	_ =	shalt  }
0x7f: {  	_ =	shalt  }
0x80: {  	_ =	shalt  }
0x81: {  	_ =	shalt  }
0x82: {  	_ =	shalt  }
0x83: {  	_ =	shalt  }
0x84: {  	_ =	shalt  }
0x85: {  	_ =	shalt  }
0x86: {  	_ =	shalt  }
0x87: {  	_ =	shalt  }
.Lfunc_end0:
.L_simem_size_0:
called_computation_lowered:
.L_overlay_start_0:
0x88: {  	s2 =	sld [smem:$0x3FD9]  }
0x89: {  	s3 =	sld [smem:$0x3FFE];
	_ =	sdelay $0x1  }
0x8a: {  	s1 =	srdreg.scid  }
0x8b: {  	s0 =	sand.u32 $0x1, s1  }
0x8c: {  	s17 =	sshll.u32 s0, $0xA;
	s2 =	sadd.s32 s3, s2  }
0x8d: {  	s2 =	sadd.s32 s2, s17  }
0x8e: {  	[smem:$0x3FC6] =	sst s2  }
0x8f: {  	_ = 	snop  }
0x90: {  	s2 =	sld [smem:$0x3FC8];
	(tm) =	ssettm $0x1  }
0x91: {  	s18 =	sld [smem:$0x3FFB];
	_ =	sdelay $0x3  }
0x92: {  	_ =	strace s18  }
0x93: {  	s3 =	sld [smem:$0x3FFC];
	_ =	sdelay $0x3  }
0x94: {  	_ =	strace s3  }
0x95: {  	s3 =	sld [smem:$0x3FFD];
	_ =	sdelay $0x3  }
0x96: {  	_ =	strace s3  }
0x97: {  	_ =	strace $0x8FFFFFFF  }
0x98: {  	s19 =	sld [smem:$0x3FDB];
	_ =	sdelay $0x1  }
0x99: {  	s4 =	simm.s32 $_scs_section_size  }
0x9a: {  	s5 =	simm.s32 $_size__tile_overlayer_lowered;
	s6 =	simm.s32 $_tile_overlayer_lowered  }
0x9b: {  	s22 =	simm.s32 $0x1BFF;
	s21 =	sshll.u32 s6, $0x1;
	s3 =	sadd.s32 s4, s19  }
0x9c: {  	s7 =	simm.s32 $0x0;
	s20 =	sshll.u32 s5, $0x1;
	s5 =	sadd.s32 s21, s3  }
0x9d: {  	[timem:s7], [sflag:s22] =	dma.local [hbm:s5], s20  }
0x9e: {  	_ =	swait.ge [sflag:s22], s20  }
0x9f: {  	s4 =	ssub.s32 $0x0, s20;
	[sflag:s22] =	ssyncset.done $0x0  }
0xa0: {  	[sflag:s22] =	ssyncadd.s32 s4;
	_ =	sdelay $0x1  }
0xa1: {  	s23 =	simm.s32 $0x1B8B  }
0xa2: {  	_ =	swait.ge [sflag:s23], $0x1  }
0xa3: {  	[sflag:s23] =	ssyncset.done $0x0  }
0xa4: {  	s25 =	simm.s32 $0x1B8E;
	s24 =	sld [smem:$0x3FFE];
	[sflag:s23] =	ssyncadd.s32 $0xFFFFFFFF  }
0xa5: {  	s26 =	simm.s32 $execute0_lowered;
	[smem:$0x3FD2] =	sst s25  }
0xa6: {  	s5 =	sshll.u32 s26, $0x1;
	_ =	strace $0x80000046;
	[dreg:$0x1] =	wrdreg $0xFFFFFFFF  }
0xa7: {  	s28 =	simm.s32 $_size_execute0_lowered;
	s3 =	sadd.s32 s3, s5;
	[dreg:$0x0] =	wrdreg $0x0  }
0xa8: {  	s5 =	sshll.u32 s28, $0x1;
	[dreg:$0x2] =	wrdreg s3  }
0xa9: {  	[dreg:$0x3] =	wrdreg s5  }
0xaa: {  	[dreg:$0x4] =	wrdreg $0xC0  }
0xab: {  	_ =	task [dreg:s7], $0x5FFFF  }
0xac: {  	[dreg:$0x1] =	wrdreg $0xFFFFFFFF  }
0xad: {  	[dreg:$0x0] =	wrdreg $0x60  }
0xae: {  	[dreg:$0x2] =	wrdreg s24  }
0xaf: {  	[dreg:$0x3] =	wrdreg s2  }
0xb0: {  	[dreg:$0x4] =	wrdreg $0x9  }
0xb1: {  	_ =	task.clear_ibuf [dreg:s7], $0x5FFFF;
	_ =	strace $0x90000046  }
0xb2: {  	s29 =	simm.s32 $0x9;
	_ =	strace $0x80000048  }
0xb3: {  	_ =	swait.ge [sflag:s29], $0x1  }
0xb4: {  	[sflag:s29] =	ssyncadd.s32 $0xFFFFFFFF  }
0xb5: {  	_ =	strace $0x90000048  }
0xb6: {  	_ =	sfence  }
0xb7: {  	s30 =	sld [smem:$0x0];
	_ =	sdelay $0x2  }
0xb8: {  	s31 =	sshll.u32 s1, $0xD;
	s1 =	sshrl.u32 s1, $0x2  }
0xb9: {  	s3 =	sand.u32 $0x4000, s31;
	s1 =	sadd.s32 s1, s30  }
0xba: {  	s0 =	sor.u32 s3, s0;
	s1 =	sshll.u32 s1, $0x11  }
0xbb: {  	s0 =	sor.u32 s1, s0  }
0xbc: {  	s0 =	sadd.s32 $0x8F2B, s0  }
0xbd: {  	[sflag:s0] =	ssyncadd.remote.s32 $0x1  }
0xbe: {  	_ =	sfence.sel $0xFFFF  }
0xbf: {  	[dreg:$0x0] =	wrdreg $0xFFFFFFFF;
	(pc) =	sbr.abs _section_cstart, $3  }
0xc0: {  	[dreg:$0x1] =	wrdreg $0xFFFFFFFF  }
0xc1: {  	_ =	task.clear_ibuf [dreg:s7], $0x2FFFF;
	_ =	strace $0x9FFFFFFF  }
0xc2: {  	(tm) =	ssettm $0x7FFFFFFF  }
0xc3: {  	_ =	shalt  }
tec
execute0_lowered:
.L_overlay_start_1:
0x0: {  	(tag) =	ssettag $0x1  }
0x1: {  	s4 =	rddreg [dreg:$0x0]  }
0x2: {  	s1 =	rddreg [dreg:$0x1]  }
0x3: {  	s0 =	rddreg [dreg:$0x2]  }
0x4: {  	s2 =	simm.s32 $0x0;
	s3 =	srdreg.scid;
	s11 =	simm.s32 $0x80  }
0x5: {  	s12 =	simm.s32 $0x400;
	s13 =	simm.s32 $0x3;
	s14 =	simm.s32 $0x1000  }
0x6: {  	s15 =	simm.s32 $0x2080;
	s16 =	simm.s32 $0x2880;
	s17 =	simm.s32 $0x3080  }
0x7: {  	v0 =	vlaneseq.u32;
	vm0 =	vmmov $0xffff;
	v1 =	vimm.s32 $0x0;
	s18 =	simm.s32 $0x3880;
	s19 =	simm.s32 $0x1;
	s20 =	simm.s32 $0x4080  }
.Ltmp0:
0x8: {  	v2 =	vimm.s32 $0x1;
	v3 =	vimm.s32 $0x2;
	v4 =	vimm.s32 $0x3;
	s21 =	simm.s32 $0x2;
	s3 =	sand.u32 $0x1, s3;
	(pc) =	sbr.rel .LBB2_1-.Ltmp0, $4  }
0x9: {  	v5 =	vimm.s32 $0x4;
	v6 =	vimm.s32 $0x5;
	v7 =	vimm.s32 $0x6;
	[smem:$0x7FF] =	sst s2;
	s5 =	sadd.s32 $0x800, s4;
	s8 =	ssub.s32 $0x2, s3  }
0xa: {  	v8 =	vimm.s32 $0x7;
	v9 =	vimm.s32 $0x8;
	v10 =	vimm.s32 $0x9;
	s6 =	sadd.s32 $0x10800, s4;
	s7 =	sadd.s32 $0x12800, s4;
	s9 =	sshrl.u32 s8, $0x1  }
0xb: {  	v11 =	vimm.s32 $0xA;
	v12 =	vimm.s32 $0xB;
	v13 =	vimm.s32 $0xC;
	s4 =	stileid.u32;
	_ =	strace $0x80000047;
	s10 =	ssub.s32 s8, s9  }
0xc: {  	v14 =	vimm.s32 $0xD;
	v15 =	vimm.s32 $0xE;
	v16 =	vimm.s32 $0xF;
	s8 =	sshll.u32 s4, $0x1;
	s9 =	sadd.s32 $0x100, s1;
	s10 =	smax.u32 s10, $0x1  }
.LBB2_9:
0xd: {  	s2 =	sadd.s32 $0x1, s2  }
0xe: {  	p0 =	sne.s32 s2, s10  }
.Ltmp1:
0xf: {  	_ = 	snop;
	(pc) =	sbr.rel @!p0 .LBB2_10-.Ltmp1, $1  }
0x10: {  	_ =	sdelay $0x3  }
.LBB2_1:
.Ltmp2:
0x11: {  	(pc) =	sbr.rel .LBB2_2-.Ltmp2, $2  }
0x12: {  	_ =	sdelay $0x2  }
0x13: {  	s22 =	simm.s32 $0x0  }
.LBB2_8:
0x14: {  	s22 =	sadd.s32 $0x1, s22  }
0x15: {  	p0 =	sne.s32 s22, $0x3  }
.Ltmp3:
0x16: {  	_ = 	snop;
	(pc) =	sbr.rel @!p0 .LBB2_9-.Ltmp3, $1  }
0x17: {  	_ =	sdelay $0x3  }
.LBB2_2:
0x18: {  	s23 =	sshll.u32 s22, $0x5  }
0x19: {  	s23 =	sor.u32 s8, s23  }
0x1a: {  	p0 =	sgt.u32 s23, $0x4F  }
.Ltmp4:
0x1b: {  	_ = 	snop;
	(pc) =	sbr.rel @p0 .LBB2_8-.Ltmp4, $1  }
0x1c: {  	_ =	sdelay $0x3  }
0x1d: {  	s23 =	sor.u32 s3, s23  }
0x1e: {  	s24 =	smulhi.u32 $0x66666667, s23;
	_ =	sdelay $0x1  }
0x1f: {  	s24 =	sshrl.u32 s24, $0x1  }
0x20: {  	s25 =	smul.u32 $0x5, s24;
	_ =	sdelay $0x1  }
0x21: {  	s23 =	ssub.s32 s23, s25  }
0x22: {  	s29 =	sshll.u32 s24, $0xF;
	s23 =	sshll.u32 s23, $0x7  }
0x23: {  	s25 =	sor.u32 s23, s29  }
0x24: {  	s25 =	sshrl.u32 s25, $0x3  }
0x25: {  	s26 =	simm.s32 $0x0;
	s30 =	sshll.u32 s24, $0x4;
	s25 =	sadd.s32 s5, s25  }
0x26: {  	[tilespmem:s26], [sflag:$0x3] =	stream.strided.gather [hbm4b:s25+s11], $0x1000, s12, s11, $0x38;
	[tilespmem:$0x4280] =	vst v63  }
0x27: {  	s28 =	sshll.u32 s24, $0x9;
	s25 =	sand.u32 $0x70, s30;
	_ =	swait.ge [sflag:s13], $0x1000  }
0x28: {  	s28 =	sand.u32 $0x3000, s28;
	s25 =	sadd.s32 s6, s25;
	[sflag:s13] =	ssyncset.done $0x0  }
0x29: {  	s25 =	sadd.s32 s28, s25;
	[sflag:s13] =	ssyncadd.s32 $0xFFFFF000  }
0x2a: {  	[tilespmem:s14], [sflag:$0x3] =	stream.strided.gather [hbm4b:s25+s11], $0x1000, s12, s11, $0x38;
	[tilespmem:$0x4280] =	vst v63  }
0x2b: {  	_ =	swait.ge [sflag:s13], $0x1000  }
0x2c: {  	[sflag:s13] =	ssyncset.done $0x0  }
0x2d: {  	[sflag:s13] =	ssyncadd.s32 $0xFFFFF000  }
0x2e: {  	v19 =	vld [tilespmem:s26+$0x0];
	_ =	sdelay $0x1  }
0x2f: {  	s31 =	simm.s32 $0x10  }
0x30: {  	v29 =	vld [tilespmem:s31+$0x0]  }
0x31: {  	v17 =	vimm.f32 $-2.000000000e+00  }
0x32: {  	v18 =	vimm.s32 $0x0;
	v23 =	vor.u32 s26, v0;
	vm1 =	vgt.f32 v19, v17  }
0x33: {  	v43 =	vor.u32 s31, v0;
	v20 =	vsel vm1, v17, v19;
	v27 =	vsel vm1, v18, v23  }
0x34: {  	v19 =	vsel vm1, v19, v17;
	v41 =	vsel vm1, v23, v18;
	vm2 =	vgt.f32 v20, v17  }
0x35: {  	v23 =	vimm.s32 $0x0;
	vm7 =	vgt.f32 v29, v19;
	v21 =	vsel vm2, v17, v20  }
0x36: {  	v30 =	vsel vm2, v18, v27;
	v38 =	vsel vm2, v20, v17;
	v40 =	vsel vm2, v27, v18  }
0x37: {  	v42 =	vsel vm7, v29, v19;
	v48 =	vsel vm7, v19, v29;
	vm3 =	vgt.f32 v21, v17  }
0x38: {  	v45 =	vsel vm7, v41, v43;
	vm9 =	vgt.f32 v48, v38;
	v22 =	vsel vm3, v17, v21  }
0x39: {  	v25 =	vsel vm3, v18, v30;
	v32 =	vsel vm3, v21, v17;
	v31 =	vsel vm3, v30, v18  }
0x3a: {  	v47 =	vsel vm9, v38, v48;
	v39 =	vsel vm9, v40, v45;
	vm4 =	vgt.f32 v22, v17  }
0x3b: {  	v21 =	vimm.s32 $0x0;
	vm6 =	vgt.f32 v47, v32;
	v24 =	vsel vm4, v17, v22  }
0x3c: {  	v20 =	vsel vm4, v18, v25;
	v28 =	vsel vm4, v22, v17;
	vm5 =	vgt.f32 v24, v17  }
0x3d: {  	v26 =	vsel vm4, v25, v18;
	v46 =	vsel vm6, v32, v47;
	v34 =	vsel vm5, v17, v24  }
0x3e: {  	vm8 =	vgt.f32 v46, v28;
	v25 =	vsel vm5, v24, v17;
	vm3 =	vgt.f32 v34, v17  }
0x3f: {  	v27 =	vsel vm5, v20, v18;
	v44 =	vsel vm8, v28, v46;
	v19 =	vsel vm3, v17, v34  }
0x40: {  	v33 =	vsel vm5, v18, v20;
	vm4 =	vgt.f32 v44, v25;
	vm5 =	vgt.f32 v19, v17  }
0x41: {  	v37 =	vsel vm3, v18, v33;
	v24 =	vsel vm3, v34, v17;
	v20 =	vsel vm5, v17, v19  }
0x42: {  	v29 =	vsel vm4, v25, v44;
	v34 =	vimm.s32 $0x0;
	vm2 =	vgt.f32 v20, v17  }
0x43: {  	v22 =	vsel vm5, v19, v17;
	v30 =	vsel vm5, v18, v37;
	v36 =	vsel vm2, v17, v20  }
0x44: {  	s25 =	simm.s32 $0x20;
	s26 =	simm.s32 $0x20;
	v35 =	vmovc v27;
	v19 =	vsel vm2, v30, v18;
	v20 =	vsel vm2, v20, v17;
	vm1 =	vgt.f32 v36, v17  }
.LBB2_4:
0x45: {  	v49 =	vld [tilespmem:s26+$0x0];
	p0 =	sne.s32 s25, $0xFF0;
	v18 =	vsel vm5, v37, v18;
	v30 =	vsel vm2, v23, v30;
	v17 =	vsel vm1, v36, v17;
	v23 =	vmovc v19;
	s28 =	smov.u32 s25;
	s25 =	sadd.s32 $0x10, s25  }
0x46: {  	v36 =	vsel vm6, v31, v39;
	v34 =	vsel vm3, v33, v34;
	v21 =	vsel vm1, v30, v21  }
0x47: {  	v38 =	vsel vm9, v48, v38;
	v32 =	vsel vm6, v47, v32;
	v30 =	vsel vm8, v26, v36  }
0x48: {  	v28 =	vsel vm8, v46, v28;
	v25 =	vsel vm4, v44, v25;
	v26 =	vsel vm8, v36, v26  }
0x49: {  	v41 =	vsel vm7, v43, v41;
	v40 =	vsel vm9, v45, v40;
	v27 =	vsel vm4, v30, v27  }
0x4a: {  	v31 =	vsel vm6, v39, v31;
	vm7 =	vgt.f32 v49, v42  }
0x4b: {  	v43 =	vor.u32 s28, v0;
	v48 =	vsel vm7, v42, v49;
	v42 =	vsel vm7, v49, v42  }
0x4c: {  	v33 =	vsel vm4, v35, v30;
	v35 =	vmovc v27;
	v45 =	vsel vm7, v41, v43;
	vm9 =	vgt.f32 v48, v38  }
0x4d: {  	vm3 =	vgt.f32 v29, v24;
	v47 =	vsel vm9, v38, v48;
	v39 =	vsel vm9, v40, v45  }
0x4e: {  	v30 =	vsel vm3, v24, v29;
	v37 =	vsel vm3, v34, v33;
	vm6 =	vgt.f32 v47, v32  }
.Ltmp5:
0x4f: {  	v24 =	vsel vm3, v29, v24;
	vm5 =	vgt.f32 v30, v22;
	v46 =	vsel vm6, v32, v47;
	(pc) =	sbr.rel @p0 .LBB2_4-.Ltmp5, $4  }
0x50: {  	v49 =	vsel vm5, v22, v30;
	v22 =	vsel vm5, v30, v22;
	vm8 =	vgt.f32 v46, v28  }
0x51: {  	v30 =	vsel vm5, v18, v37;
	vm2 =	vgt.f32 v49, v20;
	v44 =	vsel vm8, v28, v46  }
0x52: {  	v19 =	vsel vm2, v30, v19;
	v36 =	vsel vm2, v20, v49;
	vm4 =	vgt.f32 v44, v25  }
0x53: {  	s26 =	sadd.s32 $0x10, s26;
	v20 =	vsel vm2, v49, v20;
	vm1 =	vgt.f32 v36, v17;
	v29 =	vsel vm4, v25, v44  }
0x54: {  	v41 =	vsel vm7, v43, v41  }
0x55: {  	v38 =	vsel vm9, v48, v38;
	v40 =	vsel vm9, v45, v40;
	(xrf1) =	vsort.ascd.msk.f32 $0xffff, v42, v41  }
0x56: {  	(xrf1) =	vsort.dscd.msk.f32 $0xffff, v38, v40;
	_ =	sdelay $0xc  }
0x57: {  	v38, v40, _ =	vpop (xrf1)  }
0x58: {  	v41, v42, _ =	vpop (xrf1)  }
0x59: {  	vm12 =	veq.f32 v41, v38;
	vm13 =	vlt.s32 v42, v40  }
0x5a: {  	vm14 =	vgt.f32 v41, v38;
	vm7 =	vmand vm12, vm13  }
0x5b: {  	vm7 =	vmor vm14, vm7  }
0x5c: {  	v38 =	vsel vm7, v41, v38;
	v40 =	vsel vm7, v42, v40  }
0x5d: {  	v32 =	vsel vm6, v47, v32;
	v49 =	vsel vm6, v39, v31;
	(xrf1) =	vsort.ascd.msk.f32 $0xffff, v38, v40  }
0x5e: {  	(xrf1) =	vsort.dscd.msk.f32 $0xffff, v32, v49;
	_ =	sdelay $0xc  }
0x5f: {  	v50, v38, _ =	vpop (xrf1)  }
0x60: {  	v51, v41, _ =	vpop (xrf1)  }
0x61: {  	vm15 =	veq.f32 v51, v50;
	vm12 =	vlt.s32 v41, v38  }
0x62: {  	vm13 =	vgt.f32 v51, v50;
	vm7 =	vmand vm15, vm12  }
0x63: {  	vm7 =	vmor vm13, vm7  }
0x64: {  	v52 =	vsel vm6, v31, v39;
	v32 =	vsel vm7, v51, v50;
	v38 =	vsel vm7, v41, v38  }
0x65: {  	v28 =	vsel vm8, v46, v28;
	v39 =	vsel vm8, v52, v26;
	(xrf1) =	vsort.ascd.msk.f32 $0xffff, v32, v38  }
0x66: {  	(xrf1) =	vsort.dscd.msk.f32 $0xffff, v28, v39;
	_ =	sdelay $0xc  }
0x67: {  	v53, v32, _ =	vpop (xrf1)  }
0x68: {  	v54, v39, _ =	vpop (xrf1)  }
0x69: {  	vm14 =	veq.f32 v54, v53;
	vm15 =	vlt.s32 v39, v32  }
0x6a: {  	vm12 =	vgt.f32 v54, v53;
	vm6 =	vmand vm14, vm15  }
0x6b: {  	vm6 =	vmor vm12, vm6  }
0x6c: {  	v26 =	vsel vm8, v26, v52;
	v28 =	vsel vm6, v54, v53;
	v55 =	vsel vm6, v39, v32  }
0x6d: {  	v25 =	vsel vm4, v44, v25;
	v27 =	vsel vm4, v26, v27;
	(xrf1) =	vsort.ascd.msk.f32 $0xffff, v28, v55  }
0x6e: {  	(xrf1) =	vsort.dscd.msk.f32 $0xffff, v25, v27;
	_ =	sdelay $0xc  }
0x6f: {  	v25, v27, _ =	vpop (xrf1)  }
0x70: {  	v28, v31, _ =	vpop (xrf1)  }
0x71: {  	vm13 =	veq.f32 v28, v25;
	vm14 =	vlt.s32 v31, v27  }
0x72: {  	vm15 =	vgt.f32 v28, v25;
	vm6 =	vmand vm13, vm14  }
0x73: {  	v56 =	vsel vm3, v33, v34;
	vm9 =	vgt.f32 v29, v24;
	vm3 =	vmor vm15, vm6  }
0x74: {  	v26 =	vsel vm4, v35, v26;
	v25 =	vsel vm3, v28, v25;
	v27 =	vsel vm3, v31, v27  }
0x75: {  	v57 =	vsel vm9, v29, v24;
	v58 =	vsel vm9, v26, v56;
	(xrf1) =	vsort.ascd.msk.f32 $0xffff, v25, v27  }
0x76: {  	(xrf1) =	vsort.dscd.msk.f32 $0xffff, v57, v58;
	_ =	sdelay $0xc  }
0x77: {  	v25, v27, _ =	vpop (xrf1)  }
0x78: {  	v28, v31, _ =	vpop (xrf1)  }
0x79: {  	vm3 =	veq.f32 v28, v25;
	vm10 =	vlt.s32 v31, v27  }
0x7a: {  	v18 =	vsel vm5, v37, v18;
	vm11 =	vgt.f32 v28, v25;
	vm3 =	vmand vm3, vm10  }
0x7b: {  	v24 =	vsel vm9, v24, v29;
	v26 =	vsel vm9, v56, v26;
	vm3 =	vmor vm11, vm3  }
0x7c: {  	vm12 =	vgt.f32 v24, v22;
	v25 =	vsel vm3, v28, v25;
	v27 =	vsel vm3, v31, v27  }
0x7d: {  	v59 =	vsel vm12, v24, v22;
	v60 =	vsel vm12, v26, v18;
	(xrf1) =	vsort.ascd.msk.f32 $0xffff, v25, v27  }
0x7e: {  	(xrf1) =	vsort.dscd.msk.f32 $0xffff, v59, v60;
	_ =	sdelay $0xc  }
0x7f: {  	v25, v27, _ =	vpop (xrf1)  }
0x80: {  	v28, v29, _ =	vpop (xrf1)  }
0x81: {  	vm3 =	veq.f32 v28, v25;
	vm13 =	vlt.s32 v29, v27  }
0x82: {  	vm14 =	vgt.f32 v28, v25;
	vm3 =	vmand vm3, vm13  }
0x83: {  	v22 =	vsel vm12, v22, v24;
	v18 =	vsel vm12, v18, v26;
	vm3 =	vmor vm14, vm3  }
0x84: {  	vm15 =	vgt.f32 v22, v20;
	v24 =	vsel vm3, v28, v25;
	v25 =	vsel vm3, v29, v27  }
0x85: {  	v26 =	vsel vm15, v18, v19;
	v27 =	vsel vm15, v22, v20;
	(xrf1) =	vsort.ascd.msk.f32 $0xffff, v24, v25  }
0x86: {  	(xrf1) =	vsort.dscd.msk.f32 $0xffff, v27, v26;
	_ =	sdelay $0xc  }
0x87: {  	v24, v25, _ =	vpop (xrf1)  }
0x88: {  	v23 =	vsel vm2, v23, v30;
	v26, v27, _ =	vpop (xrf1)  }
0x89: {  	v17 =	vsel vm1, v36, v17;
	vm2 =	veq.f32 v26, v24;
	vm3 =	vlt.s32 v27, v25  }
0x8a: {  	v21 =	vsel vm1, v23, v21;
	vm8 =	vgt.f32 v26, v24;
	vm2 =	vmand vm2, vm3  }
0x8b: {  	v18 =	vsel vm15, v19, v18;
	v20 =	vsel vm15, v20, v22;
	vm2 =	vmor vm8, vm2  }
0x8c: {  	vm1 =	vgt.f32 v20, v17;
	v19 =	vsel vm2, v26, v24;
	v22 =	vsel vm2, v27, v25  }
0x8d: {  	v17 =	vsel vm1, v20, v17;
	v18 =	vsel vm1, v18, v21;
	(xrf1) =	vsort.ascd.msk.f32 $0xffff, v19, v22  }
0x8e: {  	(xrf1) =	vsort.dscd.msk.f32 $0xffff, v17, v18;
	_ =	sdelay $0xc  }
0x8f: {  	v17, v18, _ =	vpop (xrf1)  }
0x90: {  	v19, v20, _ =	vpop (xrf1)  }
0x91: {  	vm1 =	veq.f32 v19, v17;
	vm2 =	vlt.s32 v20, v18  }
0x92: {  	vm3 =	vgt.f32 v19, v17;
	vm1 =	vmand vm1, vm2  }
0x93: {  	vm1 =	vmor vm3, vm1  }
0x94: {  	v17 =	vsel vm1, v19, v17;
	v18 =	vsel vm1, v20, v18  }
0x95: {  	(xrf1) =	vsort.ascd.msk.f32 $0xffff, v17, v18;
	_ =	sdelay $0xd  }
0x96: {  	v18, v17, _ =	vpop (xrf1)  }
0x97: {  	v19 =	vperm.xlane v18, v1  }
0x98: {  	v20 =	vperm.xlane v17, v1;
	v21 =	vperm.xlane v18, v2  }
0x99: {  	v22 =	vperm.xlane v17, v2;
	v23 =	vperm.xlane v17, v4  }
0x9a: {  	vm1 =	vgt.f32 v19, v18;
	vm2 =	veq.f32 v19, v18;
	vm3 =	vlt.s32 v20, v17  }
0x9b: {  	vm9 =	vlt.s32 v22, v17;
	vm2 =	vmand vm2, vm3;
	vm3 =	veq.f32 v21, v18  }
0x9c: {  	vm10 =	vgt.f32 v21, v18;
	v19 =	vperm.xlane v18, v3;
	vm3 =	vmand vm3, vm9  }
0x9d: {  	v20 =	vperm.xlane v17, v3;
	vm1 =	vmor vm1, vm2;
	vm2 =	vmor vm10, vm3  }
0x9e: {  	v21 =	vsel vm1, $0x1, v1;
	vm1 =	veq.f32 v19, v18;
	vm3 =	vgt.f32 v19, v18  }
0x9f: {  	v22 =	vsel vm2, $0x1, v1;
	vm2 =	vlt.s32 v20, v17;
	v20 =	vperm.xlane v18, v4  }
0xa0: {  	v19 =	vperm.xlane v18, v5;
	v21 =	vadd.s32 v21, v22;
	vm1 =	vmand vm1, vm2  }
0xa1: {  	v22 =	vperm.xlane v17, v5;
	vm1 =	vmor vm3, vm1;
	vm2 =	veq.f32 v20, v18  }
0xa2: {  	vm3 =	vlt.s32 v23, v17;
	vm11 =	vgt.f32 v20, v18;
	v23 =	vperm.xlane v17, v6  }
0xa3: {  	vm2 =	vmand vm2, vm3;
	v20 =	vsel vm1, $0x1, v1;
	vm3 =	vgt.f32 v19, v18  }
0xa4: {  	vm1 =	vmor vm11, vm2;
	v20 =	vadd.s32 v20, v21;
	vm2 =	vlt.s32 v22, v17  }
0xa5: {  	v22 =	vperm.xlane v18, v6;
	v21 =	vsel vm1, $0x1, v1;
	vm1 =	veq.f32 v19, v18  }
0xa6: {  	v19 =	vperm.xlane v18, v7;
	v20 =	vadd.s32 v21, v20;
	vm1 =	vmand vm1, vm2  }
0xa7: {  	vm2 =	veq.f32 v22, v18;
	vm12 =	vgt.f32 v22, v18;
	v22 =	vperm.xlane v17, v7  }
0xa8: {  	vm1 =	vmor vm3, vm1;
	vm3 =	vlt.s32 v23, v17;
	v23 =	vperm.xlane v17, v8  }
0xa9: {  	vm2 =	vmand vm2, vm3;
	v21 =	vsel vm1, $0x1, v1;
	vm3 =	vgt.f32 v19, v18  }
0xaa: {  	vm1 =	vmor vm12, vm2;
	v20 =	vadd.s32 v21, v20;
	vm2 =	vlt.s32 v22, v17  }
0xab: {  	v22 =	vperm.xlane v18, v8;
	v21 =	vsel vm1, $0x1, v1;
	vm1 =	veq.f32 v19, v18  }
0xac: {  	v19 =	vperm.xlane v18, v9;
	v20 =	vadd.s32 v21, v20;
	vm1 =	vmand vm1, vm2  }
0xad: {  	vm2 =	veq.f32 v22, v18;
	vm13 =	vgt.f32 v22, v18;
	v22 =	vperm.xlane v17, v9  }
0xae: {  	vm1 =	vmor vm3, vm1;
	vm3 =	vlt.s32 v23, v17;
	v23 =	vperm.xlane v17, v10  }
0xaf: {  	vm2 =	vmand vm2, vm3;
	v21 =	vsel vm1, $0x1, v1;
	vm3 =	vgt.f32 v19, v18  }
0xb0: {  	vm1 =	vmor vm13, vm2;
	v20 =	vadd.s32 v21, v20;
	vm2 =	vlt.s32 v22, v17  }
0xb1: {  	v22 =	vperm.xlane v18, v10;
	v21 =	vsel vm1, $0x1, v1;
	vm1 =	veq.f32 v19, v18  }
0xb2: {  	v19 =	vperm.xlane v18, v11;
	v20 =	vadd.s32 v21, v20;
	vm1 =	vmand vm1, vm2  }
0xb3: {  	vm2 =	veq.f32 v22, v18;
	vm14 =	vgt.f32 v22, v18;
	v22 =	vperm.xlane v17, v11  }
0xb4: {  	vm1 =	vmor vm3, vm1;
	vm3 =	vlt.s32 v23, v17;
	v23 =	vperm.xlane v17, v12  }
0xb5: {  	vm2 =	vmand vm2, vm3;
	v21 =	vsel vm1, $0x1, v1;
	vm3 =	vgt.f32 v19, v18  }
0xb6: {  	vm1 =	vmor vm14, vm2;
	vm2 =	vlt.s32 v22, v17;
	v22 =	vperm.xlane v18, v12  }
0xb7: {  	v20 =	vadd.s32 v21, v20;
	v21 =	vsel vm1, $0x1, v1;
	vm1 =	veq.f32 v19, v18  }
0xb8: {  	v20 =	vadd.s32 v21, v20;
	vm1 =	vmand vm1, vm2;
	vm2 =	veq.f32 v22, v18  }
0xb9: {  	v21 =	vperm.xlane v18, v13;
	vm1 =	vmor vm3, vm1;
	vm3 =	vlt.s32 v23, v17  }
0xba: {  	v19 =	vsel vm1, $0x1, v1;
	vm1 =	vgt.f32 v22, v18;
	vm2 =	vmand vm2, vm3  }
0xbb: {  	v22 =	vperm.xlane v17, v13;
	vm1 =	vmor vm1, vm2;
	v19 =	vadd.s32 v19, v20  }
0xbc: {  	vm2 =	veq.f32 v21, v18;
	v20 =	vsel vm1, $0x1, v1;
	vm1 =	vgt.f32 v21, v18  }
0xbd: {  	vm3 =	vlt.s32 v22, v17;
	v21 =	vperm.xlane v18, v14;
	v22 =	vperm.xlane v17, v14  }
0xbe: {  	v24 =	vperm.xlane v17, v16;
	vm2 =	vmand vm2, vm3;
	v19 =	vadd.s32 v20, v19  }
0xbf: {  	vm1 =	vmor vm1, vm2;
	vm2 =	vlt.s32 v22, v17;
	vm3 =	vgt.f32 v21, v18  }
0xc0: {  	v20 =	vsel vm1, $0x1, v1;
	vm1 =	veq.f32 v21, v18;
	v21 =	vperm.xlane v17, v15  }
0xc1: {  	v19 =	vadd.s32 v20, v19;
	vm1 =	vmand vm1, vm2;
	v20 =	vperm.xlane v18, v15  }
0xc2: {  	vm15 =	vlt.s32 v24, v17;
	v23 =	vperm.xlane v18, v16;
	vm1 =	vmor vm3, vm1  }
0xc3: {  	vm3 =	vlt.s32 v21, v17;
	v22 =	vsel vm1, $0x1, v1;
	vm2 =	veq.f32 v20, v18  }
0xc4: {  	vm1 =	vgt.f32 v20, v18;
	vm2 =	vmand vm2, vm3;
	vm3 =	veq.f32 v23, v18  }
0xc5: {  	vm1 =	vmor vm1, vm2;
	vm2 =	vgt.f32 v23, v18;
	vm3 =	vmand vm3, vm15  }
0xc6: {  	v18 =	vadd.s32 v22, v19;
	v19 =	vsel vm1, $0x1, v1;
	vm1 =	vmor vm2, vm3  }
0xc7: {  	v18 =	vadd.s32 v19, v18;
	v19 =	vsel vm1, $0x1, v1  }
0xc8: {  	v18 =	vadd.s32 v19, v18  }
0xc9: {  	v18 =	vxor.u32 $0x80000000, v18  }
0xca: {  	(xrf1) =	vsort.ascd.msk.u32 $0xffff, v18, v17;
	_ =	sdelay $0xd  }
0xcb: {  	s24 =	sshll.u32 s24, $0xC;
	_, v17, _ =	vpop (xrf1)  }
0xcc: {  	v18 =	vadd.s32 s24, v17  }
0xcd: {  	v19 =	vshll.u32 v18, $0x2  }
0xce: {  	v20 =	vand.u32 $0x7, v17;
	v19 =	vand.u32 $0xFFFFFFE0, v19  }
0xcf: {  	v21 =	vshrl.u32 v0, $0x3;
	v19 =	vor.u32 v20, v19;
	v20 =	vand.u32 $0x7, v0  }
0xd0: {  	v21 =	vmul.u32 $0x8, v21;
	v20 =	vperm.xlane v19, v20;
	_ =	sdelay $0x1  }
0xd1: {  	v20 =	vadd.s32 v21, v20  }
0xd2: {  	v22 =	vor.u32 $0x8, v0  }
0xd3: {  	v19 =	vperm.xlane v19, v22;
	_ =	sdelay $0x1  }
0xd4: {  	s25 =	simm.s32 $0x0;
	v17 =	vld.idx.msk [tilespmem:v17+s14+$0x0], $0xffff;
	[tilespmem:$0x2000] =	vst v18;
	v18 =	vadd.s32 v21, v19  }
0xd5: {  	[tilespmem:s15], [sflag:$0x1] =	stream.indirect_vreg.gather [hbm4b:s1+s25], $0x80, v20, vm0, $0xb8;
	[tilespmem:$0x4280] =	vst v63  }
0xd6: {  	_ = 	snop  }
0xd7: {  	[tilespmem:s16], [sflag:$0x1] =	stream.indirect_vreg.gather [hbm4b:s9+s25], $0x80, v20, vm0, $0xb8;
	[tilespmem:$0x4280] =	vst v63  }
0xd8: {  	_ = 	snop  }
0xd9: {  	[tilespmem:s17], [sflag:$0x1] =	stream.indirect_vreg.gather [hbm4b:s1+s25], $0x80, v18, vm0, $0xb8;
	[tilespmem:$0x4280] =	vst v63  }
0xda: {  	_ = 	snop  }
0xdb: {  	[tilespmem:s18], [sflag:$0x1] =	stream.indirect_vreg.gather [hbm4b:s9+s25], $0x80, v18, vm0, $0xb8;
	[tilespmem:$0x4280] =	vst v63  }
0xdc: {  	_ =	swait.ge [sflag:s19], $0x2000  }
0xdd: {  	s26 =	sand.u32 $0x70, s25;
	s25 =	sand.u32 $0xC00, s25;
	[sflag:s19] =	ssyncset.done $0x0  }
0xde: {  	s25 =	sor.u32 s26, s25;
	[sflag:s19] =	ssyncadd.s32 $0xFFFFE000  }
0xdf: {  	v18 =	vld [tilespmem:s25+$0x2080]  }
0xe0: {  	v25 =	vmul.f32 $1.111111120e-01, v17  }
0xe1: {  	v20 =	vld [tilespmem:s25+$0x2100]  }
0xe2: {  	v19 =	vperm.xlane v25, v1  }
0xe3: {  	v21 =	vld [tilespmem:s25+$0x2180]  }
0xe4: {  	v17 =	vperm.xlane v25, v2;
	v22 =	vmul.f32 v18, v19  }
0xe5: {  	v23 =	vld [tilespmem:s25+$0x2200]  }
0xe6: {  	v18 =	vperm.xlane v25, v3;
	v24 =	vmul.f32 v20, v17;
	v22 =	vadd.f32 $0.0e+00, v22  }
0xe7: {  	v26 =	vld [tilespmem:s25+$0x2280]  }
0xe8: {  	v20 =	vperm.xlane v25, v4;
	v22 =	vadd.f32 v24, v22;
	v24 =	vmul.f32 v21, v18  }
0xe9: {  	v27 =	vld [tilespmem:s25+$0x2300]  }
0xea: {  	v23 =	vmul.f32 v23, v20;
	v21 =	vperm.xlane v25, v5;
	v24 =	vadd.f32 v24, v22  }
0xeb: {  	v61 =	vld [tilespmem:s25+$0x2380]  }
0xec: {  	v22 =	vperm.xlane v25, v6;
	v26 =	vmul.f32 v26, v21;
	v24 =	vadd.f32 v23, v24  }
0xed: {  	v62 =	vld [tilespmem:s25+$0x2400]  }
0xee: {  	v23 =	vperm.xlane v25, v7;
	v27 =	vmul.f32 v27, v22;
	v26 =	vadd.f32 v26, v24  }
0xef: {  	v63 =	vld [tilespmem:s25+$0x3080]  }
0xf0: {  	v24 =	vperm.xlane v25, v8;
	v26 =	vadd.f32 v27, v26;
	v27 =	vmul.f32 v61, v23;
	_ =	sdelay $0x1  }
0xf1: {  	v25 =	vperm.xlane v25, v9;
	v26 =	vadd.f32 v27, v26;
	v27 =	vmul.f32 v62, v24;
	_ =	sdelay $0x1  }
0xf2: {  	v26 =	vadd.f32 v27, v26;
	v27 =	vmul.f32 v63, v25  }
0xf3: {  	s28 =	simm.s32 $0x10  }
0xf4: {  	s29 =	sand.u32 $0x70, s28;
	s26 =	simm.s32 $0x80;
	v26 =	vadd.f32 v27, v26  }
0xf5: {  	s28 =	simm.s32 $0x20;
	s30 =	sand.u32 $0xC00, s26;
	s25 =	simm.s32 $0x4080  }
.LBB2_6:
0xf6: {  	p0 =	sne.s32 s28, $0x1F0;
	s29 =	sor.u32 s29, s30;
	[tilespmem:s25+$0x0] =	vst v26  }
0xf7: {  	v26 =	vld [tilespmem:s29+$0x2080];
	_ =	sdelay $0x1  }
0xf8: {  	v27 =	vld [tilespmem:s29+$0x2100];
	_ =	sdelay $0x1  }
0xf9: {  	v28 =	vld [tilespmem:s29+$0x2180]  }
0xfa: {  	v26 =	vmul.f32 v26, v19  }
0xfb: {  	v29 =	vld [tilespmem:s29+$0x2200]  }
0xfc: {  	v26 =	vadd.f32 $0.0e+00, v26;
	v27 =	vmul.f32 v27, v17  }
0xfd: {  	v30 =	vld [tilespmem:s29+$0x2280]  }
0xfe: {  	v26 =	vadd.f32 v27, v26;
	v27 =	vmul.f32 v28, v18  }
0xff: {  	v28 =	vld [tilespmem:s29+$0x2300]  }
0x100: {  	v26 =	vadd.f32 v27, v26;
	v27 =	vmul.f32 v29, v20  }
0x101: {  	v29 =	vld [tilespmem:s29+$0x2380]  }
0x102: {  	v26 =	vadd.f32 v27, v26;
	v27 =	vmul.f32 v30, v21  }
0x103: {  	v30 =	vld [tilespmem:s29+$0x2400]  }
0x104: {  	v26 =	vadd.f32 v27, v26;
	v27 =	vmul.f32 v28, v22  }
0x105: {  	v28 =	vld [tilespmem:s29+$0x3080]  }
0x106: {  	v26 =	vadd.f32 v27, v26;
	v27 =	vmul.f32 v29, v23;
	_ =	sdelay $0x1  }
0x107: {  	v26 =	vadd.f32 v27, v26;
	v27 =	vmul.f32 v30, v24  }
.Ltmp6:
0x108: {  	(pc) =	sbr.rel @p0 .LBB2_6-.Ltmp6, $3  }
0x109: {  	v26 =	vadd.f32 v27, v26;
	v27 =	vmul.f32 v28, v25;
	_ =	sdelay $0x1  }
0x10a: {  	s26 =	sadd.s32 $0x80, s26;
	s25 =	sadd.s32 $0x10, s25;
	v26 =	vadd.f32 v27, v26  }
0x10b: {  	s30 =	sand.u32 $0xC00, s26;
	s29 =	sand.u32 $0x70, s28;
	s28 =	sadd.s32 $0x10, s28  }
0x10c: {  	s26 =	sor.u32 s29, s30;
	[tilespmem:s25+$0x0] =	vst v26  }
0x10d: {  	v26 =	vld [tilespmem:s26+$0x2080];
	_ =	sdelay $0x1  }
0x10e: {  	v27 =	vld [tilespmem:s26+$0x2100];
	_ =	sdelay $0x1  }
0x10f: {  	v28 =	vld [tilespmem:s26+$0x2180]  }
0x110: {  	v19 =	vmul.f32 v26, v19  }
0x111: {  	v60 =	vld [tilespmem:s26+$0x2200]  }
0x112: {  	v17 =	vmul.f32 v27, v17;
	v19 =	vadd.f32 $0.0e+00, v19  }
0x113: {  	v61 =	vld [tilespmem:s26+$0x2280]  }
0x114: {  	v18 =	vmul.f32 v28, v18;
	v17 =	vadd.f32 v17, v19  }
0x115: {  	v19 =	vld [tilespmem:s26+$0x2300]  }
0x116: {  	v17 =	vadd.f32 v18, v17;
	v18 =	vmul.f32 v60, v20  }
0x117: {  	v62 =	vld [tilespmem:s26+$0x2380]  }
0x118: {  	v17 =	vadd.f32 v18, v17;
	v18 =	vmul.f32 v61, v21  }
0x119: {  	v63 =	vld [tilespmem:s26+$0x2400]  }
0x11a: {  	v17 =	vadd.f32 v18, v17;
	v18 =	vmul.f32 v19, v22  }
0x11b: {  	v19 =	vld [tilespmem:s26+$0x3080]  }
0x11c: {  	v17 =	vadd.f32 v18, v17;
	v18 =	vmul.f32 v62, v23;
	_ =	sdelay $0x1  }
0x11d: {  	v17 =	vadd.f32 v18, v17;
	v18 =	vmul.f32 v63, v24;
	_ =	sdelay $0x1  }
0x11e: {  	v17 =	vadd.f32 v18, v17;
	v18 =	vmul.f32 v19, v25;
	_ =	sdelay $0x1  }
0x11f: {  	s23 =	sor.u32 s23, s24;
	v17 =	vadd.f32 v18, v17  }
0x120: {  	s31 =	sadd.s32 $0x10, s25;
	s23 =	sshrl.u32 s23, $0x3  }
.Ltmp7:
0x121: {  	s23 =	sadd.s32 s7, s23;
	[tilespmem:s31+$0x0] =	vst v17;
	(pc) =	sbr.rel .LBB2_8-.Ltmp7, $4  }
0x122: {  	[hbm4b:s23+s11] =	stream.strided.scatter [tilespmem:s20], [sflag:$0x2], $0x200, s12, s11, $0x38;
	[tilespmem:$0x4280] =	vst v63  }
0x123: {  	_ =	swait.ge [sflag:s21], $0x200  }
0x124: {  	[sflag:s21] =	ssyncset.done $0x0  }
0x125: {  	[sflag:s21] =	ssyncadd.s32 $0xFFFFFE00  }
.LBB2_10:
0x126: {  	_ =	sfence.sel $0x180000  }
0x127: {  	[bflag:$0x0] =	sbarrier.arrive $0xFFFF  }
0x128: {  	p0 =	sne.s32 s4, $0x0;
	_ =	strace $0x90000047  }
0x129: {  	s0 =	sadd.s32 @!p0 $0x100000, s0;
	[bflag:$0x2] =	sbarrier.arrive $0xFFFF  }
0x12a: {  	[sflag:s0] =	ssyncadd.tile.s32 @!p0 $0x1;
	_ =	shalt  }
.Lfunc_end2:
_tile_overlayer_lowered:
.L_overlay_start_2:
0x12b: {  	(tag) =	ssettag $0x2  }
0x12c: {  	s0 =	rddreg [dreg:$0x0];
	s2 =	stileid.u32  }
0x12d: {  	s1 =	rddreg [dreg:$0x1];
	p0 =	sne.s32 s2, $0x0  }
0x12e: {  	s3 =	rddreg [dreg:$0x2];
	[bflag:$0x3] =	sbarrier.arrive $0xFFFF;
	s2 =	simm.s32 @!p0 $0x1C02  }
0x12f: {  	[timem:s3], [sflag:s2] =	dma.local @!p0 [hbm:s0], s1  }
0x130: {  	s0 =	simm.s32 @!p0 $0x2  }
0x131: {  	_ =	swait.ge @!p0 [sflag:s0], s1  }
0x132: {  	s1 =	ssub.s32 @!p0 $0x0, s1;
	[sflag:s0] =	ssyncset.done @!p0 $0x0  }
0x133: {  	[sflag:s0] =	ssyncadd.s32 @!p0 s1  }
0x134: {  	[bflag:$0x3] =	sbarrier.arrive $0xFFFF  }
0x135: {  	_ =	shalt  }

</sc_bundles>
